<compile_context>
chip_gen: v7x
topology: tpu7x:2x2x1
jax: 0.10.2.dev20260603
libtpu: 0.0.44.dev20260713+nightly
codegen_flags: <defaults>
</compile_context>

<pallas_src>
import functools

import jax
import jax.numpy as jnp
from jax import lax
from jax.experimental import pallas as pl
from jax.experimental.pallas import tpu as pltpu
from jax.experimental.pallas import tpu_sc as plsc

N = 10000
E = 320000
D = 128

NC = 2
NS = 16
NW = NC * NS

NP = 10112
NPT = NP // NS
NPD = 10240
NPDT = NPD // NS

C = 128
NCHT = E // C
NCHUNK = 78
NEXTRA = NCHT - NW * NCHUNK
NBUF = 3
NBUFD = 2


BR = 1000

_mesh = plsc.VectorSubcoreMesh(core_axis_name="c", subcore_axis_name="s")



@functools.partial(
    pl.kernel,
    out_type=jax.ShapeDtypeStruct((NC, NPD), jnp.float32),
    mesh=_mesh,
    scratch_types=[
        [pltpu.VMEM((C,), jnp.int32)] * NBUFD,
        pltpu.VMEM((C,), jnp.float32),
        pltpu.VMEM_SHARED((NPD,), jnp.float32),
        [pltpu.SemaphoreType.DMA] * NBUFD,
    ],
)
def _deg_sc(dst_hbm, ones_hbm, zeros_hbm, out_hbm, dbufs, ones_v, acc, dsems):
    cid = lax.axis_index("c")
    sid = lax.axis_index("s")
    wid = sid * NC + cid
    base0 = wid * NCHUNK * C
    for b in range(NBUFD):
        pltpu.async_copy(dst_hbm.at[pl.ds(base0 + b * C, C)], dbufs[b], dsems[b])
    pltpu.sync_copy(ones_hbm, ones_v)
    pltpu.sync_copy(zeros_hbm, acc.at[pl.ds(sid * NPDT, NPDT)])
    plsc.subcore_barrier()

    def step(ch, b, reissue):
        pltpu.make_async_copy(dst_hbm.at[pl.ds(0, C)], dbufs[b], dsems[b]).wait()
        pltpu.sync_copy(ones_v, acc.at[dbufs[b]], add=True)
        if reissue:
            pltpu.async_copy(dst_hbm.at[pl.ds(base0 + (ch + NBUFD) * C, C)],
                             dbufs[b], dsems[b])

    def body(j, carry):
        for b in range(NBUFD):
            step(j * NBUFD + b, b, True)
        return carry

    lax.fori_loop(0, (NCHUNK - NBUFD) // NBUFD, body, 0)
    for b in range(NBUFD):
        step(NCHUNK - NBUFD + b, b, False)

    @pl.when(wid < NEXTRA)
    def _():
        pltpu.sync_copy(dst_hbm.at[pl.ds((NW * NCHUNK + wid) * C, C)], dbufs[0])
        pltpu.sync_copy(ones_v, acc.at[dbufs[0]], add=True)

    plsc.subcore_barrier()
    pltpu.sync_copy(acc.at[pl.ds(sid * NPDT, NPDT)],
                    out_hbm.at[cid, pl.ds(sid * NPDT, NPDT)])



@functools.partial(
    pl.kernel,
    out_type=jax.ShapeDtypeStruct((NC, NP, D), jnp.float32),
    mesh=_mesh,
    scratch_types=[
        [pltpu.VMEM((C,), jnp.int32)] * NBUF,
        [pltpu.VMEM((C,), jnp.int32)] * NBUF,
        [pltpu.VMEM((C, D), jnp.float32)] * NBUF,
        pltpu.VMEM_SHARED((NP, D), jnp.float32),
        [pltpu.SemaphoreType.DMA] * NBUF,
        [pltpu.SemaphoreType.DMA] * NBUF,
    ],
)
def _agg_sc(src_hbm, dst_hbm, hs_hbm, zeros_hbm, out_hbm,
            sbufs, dbufs, gbufs, acc, gsems, dsems):
    cid = lax.axis_index("c")
    sid = lax.axis_index("s")
    wid = sid * NC + cid
    base0 = wid * NCHUNK * C
    for b in range(NBUF):
        pltpu.sync_copy(src_hbm.at[pl.ds(base0 + b * C, C)], sbufs[b])
        pltpu.async_copy(dst_hbm.at[pl.ds(base0 + b * C, C)], dbufs[b], dsems[b])
        pltpu.async_copy(hs_hbm.at[sbufs[b]], gbufs[b], gsems[b])
    pltpu.sync_copy(zeros_hbm, acc.at[pl.ds(sid * NPT, NPT)])
    plsc.subcore_barrier()

    def step(ch, b, reissue):
        pltpu.make_async_copy(hs_hbm.at[pl.ds(0, C)], gbufs[b], gsems[b]).wait()
        pltpu.make_async_copy(dst_hbm.at[pl.ds(0, C)], dbufs[b], dsems[b]).wait()
        pltpu.sync_copy(gbufs[b], acc.at[dbufs[b]], add=True)
        if reissue:
            base = base0 + (ch + NBUF) * C
            pltpu.async_copy(dst_hbm.at[pl.ds(base, C)], dbufs[b], dsems[b])
            pltpu.sync_copy(src_hbm.at[pl.ds(base, C)], sbufs[b])
            pltpu.async_copy(hs_hbm.at[sbufs[b]], gbufs[b], gsems[b])

    def body(j, carry):
        for b in range(NBUF):
            step(j * NBUF + b, b, True)
        return carry

    lax.fori_loop(0, (NCHUNK - NBUF) // NBUF, body, 0)
    for b in range(NBUF):
        step(NCHUNK - NBUF + b, b, False)

    @pl.when(wid < NEXTRA)
    def _():
        base = (NW * NCHUNK + wid) * C
        pltpu.sync_copy(src_hbm.at[pl.ds(base, C)], sbufs[0])
        pltpu.sync_copy(dst_hbm.at[pl.ds(base, C)], dbufs[0])
        pltpu.async_copy(hs_hbm.at[sbufs[0]], gbufs[0], gsems[0]).wait()
        pltpu.sync_copy(gbufs[0], acc.at[dbufs[0]], add=True)

    plsc.subcore_barrier()
    pltpu.sync_copy(acc.at[pl.ds(sid * NPT, NPT)],
                    out_hbm.at[cid, pl.ds(sid * NPT, NPT)])



def _dense_body(x_ref, wt_ref, b_ref, n05_ref, h0_ref, hs0_ref):
    h0 = jnp.dot(x_ref[...], wt_ref[...],
                 preferred_element_type=jnp.float32) + b_ref[0:1, :]
    h0_ref[...] = h0
    hs0_ref[...] = h0 * n05_ref[...]


_dense_tc = pl.pallas_call(
    _dense_body,
    grid=(N // BR,),
    in_specs=[
        pl.BlockSpec((BR, D), lambda i: (i, 0)),
        pl.BlockSpec((D, D), lambda i: (0, 0)),
        pl.BlockSpec((8, D), lambda i: (0, 0)),
        pl.BlockSpec((BR, D), lambda i: (i, 0)),
    ],
    out_specs=[pl.BlockSpec((BR, D), lambda i: (i, 0)),
               pl.BlockSpec((BR, D), lambda i: (i, 0))],
    out_shape=[jax.ShapeDtypeStruct((N, D), jnp.float32),
               jax.ShapeDtypeStruct((N, D), jnp.float32)],
)



def _combine_body(p_ref, h0_ref, va_ref, vb_ref, o_ref):
    o_ref[...] = ((p_ref[0] + p_ref[1]) * va_ref[...]
                  + h0_ref[...] * vb_ref[...])


_combine_tc = pl.pallas_call(
    _combine_body,
    grid=(N // BR,),
    in_specs=[
        pl.BlockSpec((NC, BR, D), lambda i: (0, i, 0)),
        pl.BlockSpec((BR, D), lambda i: (i, 0)),
        pl.BlockSpec((BR, D), lambda i: (i, 0)),
        pl.BlockSpec((BR, D), lambda i: (i, 0)),
    ],
    out_specs=pl.BlockSpec((BR, D), lambda i: (i, 0)),
    out_shape=jax.ShapeDtypeStruct((N, D), jnp.float32),
)


def kernel(features, edge_index, W, b):
    src = edge_index[0]
    dst = edge_index[1]
    wt = W.T
    b2 = jnp.broadcast_to(b[None, :], (8, D))
    ones_in = jnp.ones((C,), jnp.float32)
    zeros_deg = jnp.zeros((NPDT,), jnp.float32)
    zeros_row = jnp.zeros((NPT, D), jnp.float32)

    deg_p = _deg_sc(dst, ones_in, zeros_deg)
    degs = jnp.sum(deg_p, axis=0)[:N]
    d1 = degs + 1.0
    n05 = lax.rsqrt(d1)
    nl1 = 1.0 / d1
    n05_b = jnp.broadcast_to(n05[:, None], (N, D))
    nl1_b = jnp.broadcast_to(nl1[:, None], (N, D))
    nl1n05_b = jnp.broadcast_to((nl1 * n05)[:, None], (N, D))

    h0, hs0 = _dense_tc(features, wt, b2, n05_b)
    p1 = _agg_sc(src, dst, hs0, zeros_row)
    hs1 = _combine_tc(p1, h0, nl1_b, nl1n05_b)
    p2 = _agg_sc(src, dst, hs1, zeros_row)
    out = _combine_tc(p2, h0, n05_b, nl1_b)
    return out

# --- scband reference (transcript-rebuilt; emitter-appended) ---
"""Pipeline reference for scband-vsgclayer-pre-11914239279381 (READ-ONLY COPY).

The authoritative reference and input builder live on the scoring server;
editing this copy changes nothing except your own understanding.
"""

import jax, jax.numpy as jnp
import numpy as np

N = 10000
E = 320000
D = 128
K = 2
ALPHA = 1.0
LAMBD = 1.0


def setup_inputs(seed: int = 0) -> dict:
    key = jax.random.key(seed)
    k1, k2, k3 = jax.random.split(key, 3)
    features = jax.random.normal(k1, (N, D), dtype=jnp.float32)
    # edge_index[0] = src nodes, edge_index[1] = dst nodes
    edge_index = jax.random.randint(k2, (2, E), 0, N, dtype=jnp.int32)
    # nn.Linear params, xavier_uniform weight, zero bias
    bound = float(np.sqrt(6.0 / (D + D)))
    W = jax.random.uniform(k3, (D, D), minval=-bound, maxval=bound, dtype=jnp.float32)
    b = jnp.zeros((D,), dtype=jnp.float32)
    return {"features": features, "edge_index": edge_index, "W": W, "b": b}


def reference(features, edge_index, W, b):
    Nn = features.shape[0]
    src = edge_index[0]
    dst = edge_index[1]
    # in-degrees: number of edges pointing at each node
    degs = jnp.zeros((Nn,), dtype=jnp.float32).at[dst].add(1.0)
    norm_lambd_1 = jnp.power(LAMBD * degs + 1.0, -1.0)[:, None]
    norm05 = jnp.power(degs + 1.0, 0.5)[:, None]
    norm_05 = jnp.power(degs + 1.0, -0.5)[:, None]
    # dropout is identity (p=0)
    h = features @ W.T + b
    h_pre = h
    h_initial = h * norm_lambd_1
    for _ in range(K):
        h = h * norm_05
        # update_all(copy_u, sum): h_new[v] = sum_{(u->v)} h[u]
        h = jax.ops.segment_sum(h[src], dst, num_segments=Nn)
        h = h * norm_lambd_1 * norm05
        h = ALPHA * LAMBD * h + (1.0 - ALPHA) * h_pre + ALPHA * h_initial
        h_pre = h
    return h

if __name__ == "__main__":
    import jax
    _d = setup_inputs()
    print(jax.jit(kernel)(*tuple(_d.values())))

</pallas_src>

<mosaic_0001>
#map = affine_map<(d0, d1) -> (0)>
#map1 = affine_map<(d0, d1) -> (0, 0)>
#map2 = affine_map<(d0, d1) -> (0, 0, 0)>
module attributes {stable_mosaic.version = 14 : i64} {
  func.func @_agg_sc(%arg0: i32, %arg1: i32, %arg2: memref<320000xi32, #tpu.memory_space<hbm>>, %arg3: memref<320000xi32, #tpu.memory_space<hbm>>, %arg4: memref<10000x128xf32, #tpu.memory_space<hbm>>, %arg5: memref<632x128xf32, #tpu.memory_space<hbm>>, %arg6: memref<2x10112x128xf32, #tpu.memory_space<hbm>>, %arg7: memref<128xi32, #tpu.memory_space<vmem>>, %arg8: memref<128xi32, #tpu.memory_space<vmem>>, %arg9: memref<128xi32, #tpu.memory_space<vmem>>, %arg10: memref<128xi32, #tpu.memory_space<vmem>>, %arg11: memref<128xi32, #tpu.memory_space<vmem>>, %arg12: memref<128xi32, #tpu.memory_space<vmem>>, %arg13: memref<128x128xf32, #tpu.memory_space<vmem>>, %arg14: memref<128x128xf32, #tpu.memory_space<vmem>>, %arg15: memref<128x128xf32, #tpu.memory_space<vmem>>, %arg16: memref<10112x128xf32, #tpu.memory_space<vmem_shared>>, %arg17: memref<!tpu.dma_semaphore, #tpu.memory_space<semaphore_mem>>, %arg18: memref<!tpu.dma_semaphore, #tpu.memory_space<semaphore_mem>>, %arg19: memref<!tpu.dma_semaphore, #tpu.memory_space<semaphore_mem>>, %arg20: memref<!tpu.dma_semaphore, #tpu.memory_space<semaphore_mem>>, %arg21: memref<!tpu.dma_semaphore, #tpu.memory_space<semaphore_mem>>, %arg22: memref<!tpu.dma_semaphore, #tpu.memory_space<semaphore_mem>>) attributes {dimension_semantics = [#tpu.dimension_semantics<core_parallel>, #tpu.dimension_semantics<subcore_parallel>], iteration_bounds = array<i64: 2, 16>, scalar_prefetch = 0 : i64, scratch_operands = 16 : i64, tpu.core_type = #tpu.core_type<sc_vector_subcore>, window_params = [{transform_indices = #map}, {transform_indices = #map}, {transform_indices = #map1}, {transform_indices = #map1}, {transform_indices = #map2}]} {
    %mul3A = arith.constant 2 : i32
    %mul3A_0 = arith.muli %arg1, %mul3A : i32
    %add3A = arith.addi %mul3A_0, %arg0 : i32
    %mul3A_1 = arith.constant 78 : i32
    %mul3A_2 = arith.muli %add3A, %mul3A_1 : i32
    %mul3A_3 = arith.constant 128 : i32
    %mul3A_4 = arith.muli %mul3A_2, %mul3A_3 : i32
    %add3A_5 = arith.constant 0 : i32
    %add3A_6 = arith.addi %mul3A_4, %add3A_5 : i32
    "tpu.region"() ({
      %run_scoped3A = tpu.sem_alloc : memref<!tpu.dma_semaphore, #tpu.memory_space<semaphore_mem>>
      %dma_start3A_74 = tpu.memref_slice %arg2[%add3A_6] : memref<320000xi32, #tpu.memory_space<hbm>> -> memref<128xi32, #tpu.memory_space<hbm>>
      %dma_start3A_75 = tpu.memref_slice %arg2[%add3A_6] : memref<320000xi32, #tpu.memory_space<hbm>> -> memref<128xi32, #tpu.memory_space<hbm>>
      tpu.enqueue_dma source(%dma_start3A_75 : memref<128xi32, #tpu.memory_space<hbm>>) target(%arg7 : memref<128xi32, #tpu.memory_space<vmem>>) target_semaphore(%run_scoped3A : memref<!tpu.dma_semaphore, #tpu.memory_space<semaphore_mem>>)
      %dma_wait3A_76 = tpu.memref_slice %arg2[%add3A_6] : memref<320000xi32, #tpu.memory_space<hbm>> -> memref<128xi32, #tpu.memory_space<hbm>>
      %dma_wait3A_77 = tpu.memref_slice %arg2[%add3A_6] : memref<320000xi32, #tpu.memory_space<hbm>> -> memref<128xi32, #tpu.memory_space<hbm>>
      tpu.wait_dma2 semaphore(%run_scoped3A : memref<!tpu.dma_semaphore, #tpu.memory_space<semaphore_mem>>) src(%dma_wait3A_77 : memref<128xi32, #tpu.memory_space<hbm>>) dst(%arg7 : memref<128xi32, #tpu.memory_space<vmem>>)
      tpu.yield
    }) : () -> ()
    %add3A_7 = arith.constant 0 : i32
    %add3A_8 = arith.addi %mul3A_4, %add3A_7 : i32
    %dma_start3A = tpu.memref_slice %arg3[%add3A_8] : memref<320000xi32, #tpu.memory_space<hbm>> -> memref<128xi32, #tpu.memory_space<hbm>>
    %dma_start3A_9 = tpu.memref_slice %arg3[%add3A_8] : memref<320000xi32, #tpu.memory_space<hbm>> -> memref<128xi32, #tpu.memory_space<hbm>>
    tpu.enqueue_dma source(%dma_start3A_9 : memref<128xi32, #tpu.memory_space<hbm>>) target(%arg10 : memref<128xi32, #tpu.memory_space<vmem>>) target_semaphore(%arg20 : memref<!tpu.dma_semaphore, #tpu.memory_space<semaphore_mem>>)
    %dma_start3A_10 = arith.constant 0 : i32
    %dma_start3A_11 = arith.constant 0 : i32
    %dma_start3A_12 = tpu.memref_slice %arg4[%dma_start3A_10, %dma_start3A_11] : memref<10000x128xf32, #tpu.memory_space<hbm>> -> memref<10000x128xf32, #tpu.memory_space<hbm>>
    tpu.enqueue_indirect_dma source(%dma_start3A_12 : memref<10000x128xf32, #tpu.memory_space<hbm>>) target(%arg13 : memref<128x128xf32, #tpu.memory_space<vmem>>) offsets(%arg7 : memref<128xi32, #tpu.memory_space<vmem>>) semaphore(%arg17 : memref<!tpu.dma_semaphore, #tpu.memory_space<semaphore_mem>>)
    %add3A_13 = arith.constant 128 : i32
    %add3A_14 = arith.addi %mul3A_4, %add3A_13 : i32
    "tpu.region"() ({
      %run_scoped3A = tpu.sem_alloc : memref<!tpu.dma_semaphore, #tpu.memory_space<semaphore_mem>>
      %dma_start3A_74 = tpu.memref_slice %arg2[%add3A_14] : memref<320000xi32, #tpu.memory_space<hbm>> -> memref<128xi32, #tpu.memory_space<hbm>>
      %dma_start3A_75 = tpu.memref_slice %arg2[%add3A_14] : memref<320000xi32, #tpu.memory_space<hbm>> -> memref<128xi32, #tpu.memory_space<hbm>>
      tpu.enqueue_dma source(%dma_start3A_75 : memref<128xi32, #tpu.memory_space<hbm>>) target(%arg8 : memref<128xi32, #tpu.memory_space<vmem>>) target_semaphore(%run_scoped3A : memref<!tpu.dma_semaphore, #tpu.memory_space<semaphore_mem>>)
      %dma_wait3A_76 = tpu.memref_slice %arg2[%add3A_14] : memref<320000xi32, #tpu.memory_space<hbm>> -> memref<128xi32, #tpu.memory_space<hbm>>
      %dma_wait3A_77 = tpu.memref_slice %arg2[%add3A_14] : memref<320000xi32, #tpu.memory_space<hbm>> -> memref<128xi32, #tpu.memory_space<hbm>>
      tpu.wait_dma2 semaphore(%run_scoped3A : memref<!tpu.dma_semaphore, #tpu.memory_space<semaphore_mem>>) src(%dma_wait3A_77 : memref<128xi32, #tpu.memory_space<hbm>>) dst(%arg8 : memref<128xi32, #tpu.memory_space<vmem>>)
      tpu.yield
    }) : () -> ()
    %add3A_15 = arith.constant 128 : i32
    %add3A_16 = arith.addi %mul3A_4, %add3A_15 : i32
    %dma_start3A_17 = tpu.memref_slice %arg3[%add3A_16] : memref<320000xi32, #tpu.memory_space<hbm>> -> memref<128xi32, #tpu.memory_space<hbm>>
    %dma_start3A_18 = tpu.memref_slice %arg3[%add3A_16] : memref<320000xi32, #tpu.memory_space<hbm>> -> memref<128xi32, #tpu.memory_space<hbm>>
    tpu.enqueue_dma source(%dma_start3A_18 : memref<128xi32, #tpu.memory_space<hbm>>) target(%arg11 : memref<128xi32, #tpu.memory_space<vmem>>) target_semaphore(%arg21 : memref<!tpu.dma_semaphore, #tpu.memory_space<semaphore_mem>>)
    %dma_start3A_19 = arith.constant 0 : i32
    %dma_start3A_20 = arith.constant 0 : i32
    %dma_start3A_21 = tpu.memref_slice %arg4[%dma_start3A_19, %dma_start3A_20] : memref<10000x128xf32, #tpu.memory_space<hbm>> -> memref<10000x128xf32, #tpu.memory_space<hbm>>
    tpu.enqueue_indirect_dma source(%dma_start3A_21 : memref<10000x128xf32, #tpu.memory_space<hbm>>) target(%arg14 : memref<128x128xf32, #tpu.memory_space<vmem>>) offsets(%arg8 : memref<128xi32, #tpu.memory_space<vmem>>) semaphore(%arg18 : memref<!tpu.dma_semaphore, #tpu.memory_space<semaphore_mem>>)
    %add3A_22 = arith.constant 256 : i32
    %add3A_23 = arith.addi %mul3A_4, %add3A_22 : i32
    "tpu.region"() ({
      %run_scoped3A = tpu.sem_alloc : memref<!tpu.dma_semaphore, #tpu.memory_space<semaphore_mem>>
      %dma_start3A_74 = tpu.memref_slice %arg2[%add3A_23] : memref<320000xi32, #tpu.memory_space<hbm>> -> memref<128xi32, #tpu.memory_space<hbm>>
      %dma_start3A_75 = tpu.memref_slice %arg2[%add3A_23] : memref<320000xi32, #tpu.memory_space<hbm>> -> memref<128xi32, #tpu.memory_space<hbm>>
      tpu.enqueue_dma source(%dma_start3A_75 : memref<128xi32, #tpu.memory_space<hbm>>) target(%arg9 : memref<128xi32, #tpu.memory_space<vmem>>) target_semaphore(%run_scoped3A : memref<!tpu.dma_semaphore, #tpu.memory_space<semaphore_mem>>)
      %dma_wait3A_76 = tpu.memref_slice %arg2[%add3A_23] : memref<320000xi32, #tpu.memory_space<hbm>> -> memref<128xi32, #tpu.memory_space<hbm>>
      %dma_wait3A_77 = tpu.memref_slice %arg2[%add3A_23] : memref<320000xi32, #tpu.memory_space<hbm>> -> memref<128xi32, #tpu.memory_space<hbm>>
      tpu.wait_dma2 semaphore(%run_scoped3A : memref<!tpu.dma_semaphore, #tpu.memory_space<semaphore_mem>>) src(%dma_wait3A_77 : memref<128xi32, #tpu.memory_space<hbm>>) dst(%arg9 : memref<128xi32, #tpu.memory_space<vmem>>)
      tpu.yield
    }) : () -> ()
    %add3A_24 = arith.constant 256 : i32
    %add3A_25 = arith.addi %mul3A_4, %add3A_24 : i32
    %dma_start3A_26 = tpu.memref_slice %arg3[%add3A_25] : memref<320000xi32, #tpu.memory_space<hbm>> -> memref<128xi32, #tpu.memory_space<hbm>>
    %dma_start3A_27 = tpu.memref_slice %arg3[%add3A_25] : memref<320000xi32, #tpu.memory_space<hbm>> -> memref<128xi32, #tpu.memory_space<hbm>>
    tpu.enqueue_dma source(%dma_start3A_27 : memref<128xi32, #tpu.memory_space<hbm>>) target(%arg12 : memref<128xi32, #tpu.memory_space<vmem>>) target_semaphore(%arg22 : memref<!tpu.dma_semaphore, #tpu.memory_space<semaphore_mem>>)
    %dma_start3A_28 = arith.constant 0 : i32
    %dma_start3A_29 = arith.constant 0 : i32
    %dma_start3A_30 = tpu.memref_slice %arg4[%dma_start3A_28, %dma_start3A_29] : memref<10000x128xf32, #tpu.memory_space<hbm>> -> memref<10000x128xf32, #tpu.memory_space<hbm>>
    tpu.enqueue_indirect_dma source(%dma_start3A_30 : memref<10000x128xf32, #tpu.memory_space<hbm>>) target(%arg15 : memref<128x128xf32, #tpu.memory_space<vmem>>) offsets(%arg9 : memref<128xi32, #tpu.memory_space<vmem>>) semaphore(%arg19 : memref<!tpu.dma_semaphore, #tpu.memory_space<semaphore_mem>>)
    %mul3A_31 = arith.constant 632 : i32
    %mul3A_32 = arith.muli %arg1, %mul3A_31 : i32
    "tpu.region"() ({
      %run_scoped3A = tpu.sem_alloc : memref<!tpu.dma_semaphore, #tpu.memory_space<semaphore_mem>>
      %dma_start3A_74 = arith.constant 0 : i32
      %dma_start3A_75 = tpu.memref_slice %arg16[%mul3A_32, %dma_start3A_74] : memref<10112x128xf32, #tpu.memory_space<vmem_shared>> -> memref<632x128xf32, #tpu.memory_space<vmem_shared>>
      tpu.enqueue_dma source(%arg5 : memref<632x128xf32, #tpu.memory_space<hbm>>) target(%dma_start3A_75 : memref<632x128xf32, #tpu.memory_space<vmem_shared>>) target_semaphore(%run_scoped3A : memref<!tpu.dma_semaphore, #tpu.memory_space<semaphore_mem>>)
      %dma_wait3A_76 = arith.constant 0 : i32
      %dma_wait3A_77 = tpu.memref_slice %arg16[%mul3A_32, %dma_wait3A_76] : memref<10112x128xf32, #tpu.memory_space<vmem_shared>> -> memref<632x128xf32, #tpu.memory_space<vmem_shared>>
      tpu.wait_dma2 semaphore(%run_scoped3A : memref<!tpu.dma_semaphore, #tpu.memory_space<semaphore_mem>>) src(%arg5 : memref<632x128xf32, #tpu.memory_space<hbm>>) dst(%dma_wait3A_77 : memref<632x128xf32, #tpu.memory_space<vmem_shared>>)
      tpu.yield
    }) : () -> ()
    %barrier3A = arith.constant 0 : index
    tpu.barrier barrier_id(%barrier3A)
    %scan3A = arith.constant 0 : i32
    %scan3A_33 = arith.constant 0 : i32
    %scan3A_34 = arith.constant 25 : i32
    %scan3A_35 = arith.addi %scan3A_33, %scan3A_34 : i32
    %scan3A_36 = arith.constant 1 : i32
    scf.for %scan3A_74 = %scan3A_33 to %scan3A_35 step %scan3A_36  : i32 {
      %mul3A_75 = arith.constant 3 : i32
      %mul3A_76 = arith.muli %scan3A_74, %mul3A_75 : i32
      %add3A_77 = arith.constant 0 : i32
      %add3A_78 = arith.addi %mul3A_76, %add3A_77 : i32
      %dma_wait3A_79 = arith.constant 0 : i32
      %dma_wait3A_80 = arith.constant 0 : i32
      %dma_wait3A_81 = tpu.memref_slice %arg4[%dma_wait3A_79, %dma_wait3A_80] : memref<10000x128xf32, #tpu.memory_space<hbm>> -> memref<128x128xf32, #tpu.memory_space<hbm>>
      %dma_wait3A_82 = arith.constant 0 : i32
      %dma_wait3A_83 = arith.constant 0 : i32
      %dma_wait3A_84 = tpu.memref_slice %arg4[%dma_wait3A_82, %dma_wait3A_83] : memref<10000x128xf32, #tpu.memory_space<hbm>> -> memref<128x128xf32, #tpu.memory_space<hbm>>
      tpu.wait_dma2 semaphore(%arg17 : memref<!tpu.dma_semaphore, #tpu.memory_space<semaphore_mem>>) src(%dma_wait3A_84 : memref<128x128xf32, #tpu.memory_space<hbm>>) dst(%arg13 : memref<128x128xf32, #tpu.memory_space<vmem>>)
      %dma_wait3A_85 = arith.constant 0 : i32
      %dma_wait3A_86 = tpu.memref_slice %arg3[%dma_wait3A_85] : memref<320000xi32, #tpu.memory_space<hbm>> -> memref<128xi32, #tpu.memory_space<hbm>>
      %dma_wait3A_87 = arith.constant 0 : i32
      %dma_wait3A_88 = tpu.memref_slice %arg3[%dma_wait3A_87] : memref<320000xi32, #tpu.memory_space<hbm>> -> memref<128xi32, #tpu.memory_space<hbm>>
      tpu.wait_dma2 semaphore(%arg20 : memref<!tpu.dma_semaphore, #tpu.memory_space<semaphore_mem>>) src(%dma_wait3A_88 : memref<128xi32, #tpu.memory_space<hbm>>) dst(%arg10 : memref<128xi32, #tpu.memory_space<vmem>>)
      "tpu.region"() ({
        %run_scoped3A = tpu.sem_alloc : memref<!tpu.dma_semaphore, #tpu.memory_space<semaphore_mem>>
        %dma_start3A_147 = arith.constant 0 : i32
        %dma_start3A_148 = arith.constant 0 : i32
        %dma_start3A_149 = tpu.memref_slice %arg16[%dma_start3A_147, %dma_start3A_148] : memref<10112x128xf32, #tpu.memory_space<vmem_shared>> -> memref<10112x128xf32, #tpu.memory_space<vmem_shared>>
        tpu.enqueue_indirect_dma source(%arg13 : memref<128x128xf32, #tpu.memory_space<vmem>>) target(%dma_start3A_149 : memref<10112x128xf32, #tpu.memory_space<vmem_shared>>) offsets(%arg10 : memref<128xi32, #tpu.memory_space<vmem>>) semaphore(%run_scoped3A : memref<!tpu.dma_semaphore, #tpu.memory_space<semaphore_mem>>) {add = true}
        %dma_wait3A_150 = arith.constant 0 : i32
        %dma_wait3A_151 = arith.constant 0 : i32
        %dma_wait3A_152 = tpu.memref_slice %arg16[%dma_wait3A_150, %dma_wait3A_151] : memref<10112x128xf32, #tpu.memory_space<vmem_shared>> -> memref<10112x128xf32, #tpu.memory_space<vmem_shared>>
        tpu.wait_indirect_dma semaphore(%run_scoped3A : memref<!tpu.dma_semaphore, #tpu.memory_space<semaphore_mem>>) src(%arg13 : memref<128x128xf32, #tpu.memory_space<vmem>>) dst(%dma_wait3A_152 : memref<10112x128xf32, #tpu.memory_space<vmem_shared>>)
        tpu.yield
      }) : () -> ()
      %add3A_89 = arith.constant 3 : i32
      %add3A_90 = arith.addi %add3A_78, %add3A_89 : i32
      %mul3A_91 = arith.constant 128 : i32
      %mul3A_92 = arith.muli %add3A_90, %mul3A_91 : i32
      %add3A_93 = arith.addi %mul3A_4, %mul3A_92 : i32
      %dma_start3A_94 = tpu.memref_slice %arg3[%add3A_93] : memref<320000xi32, #tpu.memory_space<hbm>> -> memref<128xi32, #tpu.memory_space<hbm>>
      %dma_start3A_95 = tpu.memref_slice %arg3[%add3A_93] : memref<320000xi32, #tpu.memory_space<hbm>> -> memref<128xi32, #tpu.memory_space<hbm>>
      tpu.enqueue_dma source(%dma_start3A_95 : memref<128xi32, #tpu.memory_space<hbm>>) target(%arg10 : memref<128xi32, #tpu.memory_space<vmem>>) target_semaphore(%arg20 : memref<!tpu.dma_semaphore, #tpu.memory_space<semaphore_mem>>)
      "tpu.region"() ({
        %run_scoped3A = tpu.sem_alloc : memref<!tpu.dma_semaphore, #tpu.memory_space<semaphore_mem>>
        %dma_start3A_147 = tpu.memref_slice %arg2[%add3A_93] : memref<320000xi32, #tpu.memory_space<hbm>> -> memref<128xi32, #tpu.memory_space<hbm>>
        %dma_start3A_148 = tpu.memref_slice %arg2[%add3A_93] : memref<320000xi32, #tpu.memory_space<hbm>> -> memref<128xi32, #tpu.memory_space<hbm>>
        tpu.enqueue_dma source(%dma_start3A_148 : memref<128xi32, #tpu.memory_space<hbm>>) target(%arg7 : memref<128xi32, #tpu.memory_space<vmem>>) target_semaphore(%run_scoped3A : memref<!tpu.dma_semaphore, #tpu.memory_space<semaphore_mem>>)
        %dma_wait3A_149 = tpu.memref_slice %arg2[%add3A_93] : memref<320000xi32, #tpu.memory_space<hbm>> -> memref<128xi32, #tpu.memory_space<hbm>>
        %dma_wait3A_150 = tpu.memref_slice %arg2[%add3A_93] : memref<320000xi32, #tpu.memory_space<hbm>> -> memref<128xi32, #tpu.memory_space<hbm>>
        tpu.wait_dma2 semaphore(%run_scoped3A : memref<!tpu.dma_semaphore, #tpu.memory_space<semaphore_mem>>) src(%dma_wait3A_150 : memref<128xi32, #tpu.memory_space<hbm>>) dst(%arg7 : memref<128xi32, #tpu.memory_space<vmem>>)
        tpu.yield
      }) : () -> ()
      %dma_start3A_96 = arith.constant 0 : i32
      %dma_start3A_97 = arith.constant 0 : i32
      %dma_start3A_98 = tpu.memref_slice %arg4[%dma_start3A_96, %dma_start3A_97] : memref<10000x128xf32, #tpu.memory_space<hbm>> -> memref<10000x128xf32, #tpu.memory_space<hbm>>
      tpu.enqueue_indirect_dma source(%dma_start3A_98 : memref<10000x128xf32, #tpu.memory_space<hbm>>) target(%arg13 : memref<128x128xf32, #tpu.memory_space<vmem>>) offsets(%arg7 : memref<128xi32, #tpu.memory_space<vmem>>) semaphore(%arg17 : memref<!tpu.dma_semaphore, #tpu.memory_space<semaphore_mem>>)
      %mul3A_99 = arith.constant 3 : i32
      %mul3A_100 = arith.muli %scan3A_74, %mul3A_99 : i32
      %add3A_101 = arith.constant 1 : i32
      %add3A_102 = arith.addi %mul3A_100, %add3A_101 : i32
      %dma_wait3A_103 = arith.constant 0 : i32
      %dma_wait3A_104 = arith.constant 0 : i32
      %dma_wait3A_105 = tpu.memref_slice %arg4[%dma_wait3A_103, %dma_wait3A_104] : memref<10000x128xf32, #tpu.memory_space<hbm>> -> memref<128x128xf32, #tpu.memory_space<hbm>>
      %dma_wait3A_106 = arith.constant 0 : i32
      %dma_wait3A_107 = arith.constant 0 : i32
      %dma_wait3A_108 = tpu.memref_slice %arg4[%dma_wait3A_106, %dma_wait3A_107] : memref<10000x128xf32, #tpu.memory_space<hbm>> -> memref<128x128xf32, #tpu.memory_space<hbm>>
      tpu.wait_dma2 semaphore(%arg18 : memref<!tpu.dma_semaphore, #tpu.memory_space<semaphore_mem>>) src(%dma_wait3A_108 : memref<128x128xf32, #tpu.memory_space<hbm>>) dst(%arg14 : memref<128x128xf32, #tpu.memory_space<vmem>>)
      %dma_wait3A_109 = arith.constant 0 : i32
      %dma_wait3A_110 = tpu.memref_slice %arg3[%dma_wait3A_109] : memref<320000xi32, #tpu.memory_space<hbm>> -> memref<128xi32, #tpu.memory_space<hbm>>
      %dma_wait3A_111 = arith.constant 0 : i32
      %dma_wait3A_112 = tpu.memref_slice %arg3[%dma_wait3A_111] : memref<320000xi32, #tpu.memory_space<hbm>> -> memref<128xi32, #tpu.memory_space<hbm>>
      tpu.wait_dma2 semaphore(%arg21 : memref<!tpu.dma_semaphore, #tpu.memory_space<semaphore_mem>>) src(%dma_wait3A_112 : memref<128xi32, #tpu.memory_space<hbm>>) dst(%arg11 : memref<128xi32, #tpu.memory_space<vmem>>)
      "tpu.region"() ({
        %run_scoped3A = tpu.sem_alloc : memref<!tpu.dma_semaphore, #tpu.memory_space<semaphore_mem>>
        %dma_start3A_147 = arith.constant 0 : i32
        %dma_start3A_148 = arith.constant 0 : i32
        %dma_start3A_149 = tpu.memref_slice %arg16[%dma_start3A_147, %dma_start3A_148] : memref<10112x128xf32, #tpu.memory_space<vmem_shared>> -> memref<10112x128xf32, #tpu.memory_space<vmem_shared>>
        tpu.enqueue_indirect_dma source(%arg14 : memref<128x128xf32, #tpu.memory_space<vmem>>) target(%dma_start3A_149 : memref<10112x128xf32, #tpu.memory_space<vmem_shared>>) offsets(%arg11 : memref<128xi32, #tpu.memory_space<vmem>>) semaphore(%run_scoped3A : memref<!tpu.dma_semaphore, #tpu.memory_space<semaphore_mem>>) {add = true}
        %dma_wait3A_150 = arith.constant 0 : i32
        %dma_wait3A_151 = arith.constant 0 : i32
        %dma_wait3A_152 = tpu.memref_slice %arg16[%dma_wait3A_150, %dma_wait3A_151] : memref<10112x128xf32, #tpu.memory_space<vmem_shared>> -> memref<10112x128xf32, #tpu.memory_space<vmem_shared>>
        tpu.wait_indirect_dma semaphore(%run_scoped3A : memref<!tpu.dma_semaphore, #tpu.memory_space<semaphore_mem>>) src(%arg14 : memref<128x128xf32, #tpu.memory_space<vmem>>) dst(%dma_wait3A_152 : memref<10112x128xf32, #tpu.memory_space<vmem_shared>>)
        tpu.yield
      }) : () -> ()
      %add3A_113 = arith.constant 3 : i32
      %add3A_114 = arith.addi %add3A_102, %add3A_113 : i32
      %mul3A_115 = arith.constant 128 : i32
      %mul3A_116 = arith.muli %add3A_114, %mul3A_115 : i32
      %add3A_117 = arith.addi %mul3A_4, %mul3A_116 : i32
      %dma_start3A_118 = tpu.memref_slice %arg3[%add3A_117] : memref<320000xi32, #tpu.memory_space<hbm>> -> memref<128xi32, #tpu.memory_space<hbm>>
      %dma_start3A_119 = tpu.memref_slice %arg3[%add3A_117] : memref<320000xi32, #tpu.memory_space<hbm>> -> memref<128xi32, #tpu.memory_space<hbm>>
      tpu.enqueue_dma source(%dma_start3A_119 : memref<128xi32, #tpu.memory_space<hbm>>) target(%arg11 : memref<128xi32, #tpu.memory_space<vmem>>) target_semaphore(%arg21 : memref<!tpu.dma_semaphore, #tpu.memory_space<semaphore_mem>>)
      "tpu.region"() ({
        %run_scoped3A = tpu.sem_alloc : memref<!tpu.dma_semaphore, #tpu.memory_space<semaphore_mem>>
        %dma_start3A_147 = tpu.memref_slice %arg2[%add3A_117] : memref<320000xi32, #tpu.memory_space<hbm>> -> memref<128xi32, #tpu.memory_space<hbm>>
        %dma_start3A_148 = tpu.memref_slice %arg2[%add3A_117] : memref<320000xi32, #tpu.memory_space<hbm>> -> memref<128xi32, #tpu.memory_space<hbm>>
        tpu.enqueue_dma source(%dma_start3A_148 : memref<128xi32, #tpu.memory_space<hbm>>) target(%arg8 : memref<128xi32, #tpu.memory_space<vmem>>) target_semaphore(%run_scoped3A : memref<!tpu.dma_semaphore, #tpu.memory_space<semaphore_mem>>)
        %dma_wait3A_149 = tpu.memref_slice %arg2[%add3A_117] : memref<320000xi32, #tpu.memory_space<hbm>> -> memref<128xi32, #tpu.memory_space<hbm>>
        %dma_wait3A_150 = tpu.memref_slice %arg2[%add3A_117] : memref<320000xi32, #tpu.memory_space<hbm>> -> memref<128xi32, #tpu.memory_space<hbm>>
        tpu.wait_dma2 semaphore(%run_scoped3A : memref<!tpu.dma_semaphore, #tpu.memory_space<semaphore_mem>>) src(%dma_wait3A_150 : memref<128xi32, #tpu.memory_space<hbm>>) dst(%arg8 : memref<128xi32, #tpu.memory_space<vmem>>)
        tpu.yield
      }) : () -> ()
      %dma_start3A_120 = arith.constant 0 : i32
      %dma_start3A_121 = arith.constant 0 : i32
      %dma_start3A_122 = tpu.memref_slice %arg4[%dma_start3A_120, %dma_start3A_121] : memref<10000x128xf32, #tpu.memory_space<hbm>> -> memref<10000x128xf32, #tpu.memory_space<hbm>>
      tpu.enqueue_indirect_dma source(%dma_start3A_122 : memref<10000x128xf32, #tpu.memory_space<hbm>>) target(%arg14 : memref<128x128xf32, #tpu.memory_space<vmem>>) offsets(%arg8 : memref<128xi32, #tpu.memory_space<vmem>>) semaphore(%arg18 : memref<!tpu.dma_semaphore, #tpu.memory_space<semaphore_mem>>)
      %mul3A_123 = arith.constant 3 : i32
      %mul3A_124 = arith.muli %scan3A_74, %mul3A_123 : i32
      %add3A_125 = arith.constant 2 : i32
      %add3A_126 = arith.addi %mul3A_124, %add3A_125 : i32
      %dma_wait3A_127 = arith.constant 0 : i32
      %dma_wait3A_128 = arith.constant 0 : i32
      %dma_wait3A_129 = tpu.memref_slice %arg4[%dma_wait3A_127, %dma_wait3A_128] : memref<10000x128xf32, #tpu.memory_space<hbm>> -> memref<128x128xf32, #tpu.memory_space<hbm>>
      %dma_wait3A_130 = arith.constant 0 : i32
      %dma_wait3A_131 = arith.constant 0 : i32
      %dma_wait3A_132 = tpu.memref_slice %arg4[%dma_wait3A_130, %dma_wait3A_131] : memref<10000x128xf32, #tpu.memory_space<hbm>> -> memref<128x128xf32, #tpu.memory_space<hbm>>
      tpu.wait_dma2 semaphore(%arg19 : memref<!tpu.dma_semaphore, #tpu.memory_space<semaphore_mem>>) src(%dma_wait3A_132 : memref<128x128xf32, #tpu.memory_space<hbm>>) dst(%arg15 : memref<128x128xf32, #tpu.memory_space<vmem>>)
      %dma_wait3A_133 = arith.constant 0 : i32
      %dma_wait3A_134 = tpu.memref_slice %arg3[%dma_wait3A_133] : memref<320000xi32, #tpu.memory_space<hbm>> -> memref<128xi32, #tpu.memory_space<hbm>>
      %dma_wait3A_135 = arith.constant 0 : i32
      %dma_wait3A_136 = tpu.memref_slice %arg3[%dma_wait3A_135] : memref<320000xi32, #tpu.memory_space<hbm>> -> memref<128xi32, #tpu.memory_space<hbm>>
      tpu.wait_dma2 semaphore(%arg22 : memref<!tpu.dma_semaphore, #tpu.memory_space<semaphore_mem>>) src(%dma_wait3A_136 : memref<128xi32, #tpu.memory_space<hbm>>) dst(%arg12 : memref<128xi32, #tpu.memory_space<vmem>>)
      "tpu.region"() ({
        %run_scoped3A = tpu.sem_alloc : memref<!tpu.dma_semaphore, #tpu.memory_space<semaphore_mem>>
        %dma_start3A_147 = arith.constant 0 : i32
        %dma_start3A_148 = arith.constant 0 : i32
        %dma_start3A_149 = tpu.memref_slice %arg16[%dma_start3A_147, %dma_start3A_148] : memref<10112x128xf32, #tpu.memory_space<vmem_shared>> -> memref<10112x128xf32, #tpu.memory_space<vmem_shared>>
        tpu.enqueue_indirect_dma source(%arg15 : memref<128x128xf32, #tpu.memory_space<vmem>>) target(%dma_start3A_149 : memref<10112x128xf32, #tpu.memory_space<vmem_shared>>) offsets(%arg12 : memref<128xi32, #tpu.memory_space<vmem>>) semaphore(%run_scoped3A : memref<!tpu.dma_semaphore, #tpu.memory_space<semaphore_mem>>) {add = true}
        %dma_wait3A_150 = arith.constant 0 : i32
        %dma_wait3A_151 = arith.constant 0 : i32
        %dma_wait3A_152 = tpu.memref_slice %arg16[%dma_wait3A_150, %dma_wait3A_151] : memref<10112x128xf32, #tpu.memory_space<vmem_shared>> -> memref<10112x128xf32, #tpu.memory_space<vmem_shared>>
        tpu.wait_indirect_dma semaphore(%run_scoped3A : memref<!tpu.dma_semaphore, #tpu.memory_space<semaphore_mem>>) src(%arg15 : memref<128x128xf32, #tpu.memory_space<vmem>>) dst(%dma_wait3A_152 : memref<10112x128xf32, #tpu.memory_space<vmem_shared>>)
        tpu.yield
      }) : () -> ()
      %add3A_137 = arith.constant 3 : i32
      %add3A_138 = arith.addi %add3A_126, %add3A_137 : i32
      %mul3A_139 = arith.constant 128 : i32
      %mul3A_140 = arith.muli %add3A_138, %mul3A_139 : i32
      %add3A_141 = arith.addi %mul3A_4, %mul3A_140 : i32
      %dma_start3A_142 = tpu.memref_slice %arg3[%add3A_141] : memref<320000xi32, #tpu.memory_space<hbm>> -> memref<128xi32, #tpu.memory_space<hbm>>
      %dma_start3A_143 = tpu.memref_slice %arg3[%add3A_141] : memref<320000xi32, #tpu.memory_space<hbm>> -> memref<128xi32, #tpu.memory_space<hbm>>
      tpu.enqueue_dma source(%dma_start3A_143 : memref<128xi32, #tpu.memory_space<hbm>>) target(%arg12 : memref<128xi32, #tpu.memory_space<vmem>>) target_semaphore(%arg22 : memref<!tpu.dma_semaphore, #tpu.memory_space<semaphore_mem>>)
      "tpu.region"() ({
        %run_scoped3A = tpu.sem_alloc : memref<!tpu.dma_semaphore, #tpu.memory_space<semaphore_mem>>
        %dma_start3A_147 = tpu.memref_slice %arg2[%add3A_141] : memref<320000xi32, #tpu.memory_space<hbm>> -> memref<128xi32, #tpu.memory_space<hbm>>
        %dma_start3A_148 = tpu.memref_slice %arg2[%add3A_141] : memref<320000xi32, #tpu.memory_space<hbm>> -> memref<128xi32, #tpu.memory_space<hbm>>
        tpu.enqueue_dma source(%dma_start3A_148 : memref<128xi32, #tpu.memory_space<hbm>>) target(%arg9 : memref<128xi32, #tpu.memory_space<vmem>>) target_semaphore(%run_scoped3A : memref<!tpu.dma_semaphore, #tpu.memory_space<semaphore_mem>>)
        %dma_wait3A_149 = tpu.memref_slice %arg2[%add3A_141] : memref<320000xi32, #tpu.memory_space<hbm>> -> memref<128xi32, #tpu.memory_space<hbm>>
        %dma_wait3A_150 = tpu.memref_slice %arg2[%add3A_141] : memref<320000xi32, #tpu.memory_space<hbm>> -> memref<128xi32, #tpu.memory_space<hbm>>
        tpu.wait_dma2 semaphore(%run_scoped3A : memref<!tpu.dma_semaphore, #tpu.memory_space<semaphore_mem>>) src(%dma_wait3A_150 : memref<128xi32, #tpu.memory_space<hbm>>) dst(%arg9 : memref<128xi32, #tpu.memory_space<vmem>>)
        tpu.yield
      }) : () -> ()
      %dma_start3A_144 = arith.constant 0 : i32
      %dma_start3A_145 = arith.constant 0 : i32
      %dma_start3A_146 = tpu.memref_slice %arg4[%dma_start3A_144, %dma_start3A_145] : memref<10000x128xf32, #tpu.memory_space<hbm>> -> memref<10000x128xf32, #tpu.memory_space<hbm>>
      tpu.enqueue_indirect_dma source(%dma_start3A_146 : memref<10000x128xf32, #tpu.memory_space<hbm>>) target(%arg15 : memref<128x128xf32, #tpu.memory_space<vmem>>) offsets(%arg9 : memref<128xi32, #tpu.memory_space<vmem>>) semaphore(%arg19 : memref<!tpu.dma_semaphore, #tpu.memory_space<semaphore_mem>>)
    }
    %scan3A_37 = arith.constant 25 : i32
    %dma_wait3A = arith.constant 0 : i32
    %dma_wait3A_38 = arith.constant 0 : i32
    %dma_wait3A_39 = tpu.memref_slice %arg4[%dma_wait3A, %dma_wait3A_38] : memref<10000x128xf32, #tpu.memory_space<hbm>> -> memref<128x128xf32, #tpu.memory_space<hbm>>
    %dma_wait3A_40 = arith.constant 0 : i32
    %dma_wait3A_41 = arith.constant 0 : i32
    %dma_wait3A_42 = tpu.memref_slice %arg4[%dma_wait3A_40, %dma_wait3A_41] : memref<10000x128xf32, #tpu.memory_space<hbm>> -> memref<128x128xf32, #tpu.memory_space<hbm>>
    tpu.wait_dma2 semaphore(%arg17 : memref<!tpu.dma_semaphore, #tpu.memory_space<semaphore_mem>>) src(%dma_wait3A_42 : memref<128x128xf32, #tpu.memory_space<hbm>>) dst(%arg13 : memref<128x128xf32, #tpu.memory_space<vmem>>)
    %dma_wait3A_43 = arith.constant 0 : i32
    %dma_wait3A_44 = tpu.memref_slice %arg3[%dma_wait3A_43] : memref<320000xi32, #tpu.memory_space<hbm>> -> memref<128xi32, #tpu.memory_space<hbm>>
    %dma_wait3A_45 = arith.constant 0 : i32
    %dma_wait3A_46 = tpu.memref_slice %arg3[%dma_wait3A_45] : memref<320000xi32, #tpu.memory_space<hbm>> -> memref<128xi32, #tpu.memory_space<hbm>>
    tpu.wait_dma2 semaphore(%arg20 : memref<!tpu.dma_semaphore, #tpu.memory_space<semaphore_mem>>) src(%dma_wait3A_46 : memref<128xi32, #tpu.memory_space<hbm>>) dst(%arg10 : memref<128xi32, #tpu.memory_space<vmem>>)
    "tpu.region"() ({
      %run_scoped3A = tpu.sem_alloc : memref<!tpu.dma_semaphore, #tpu.memory_space<semaphore_mem>>
      %dma_start3A_74 = arith.constant 0 : i32
      %dma_start3A_75 = arith.constant 0 : i32
      %dma_start3A_76 = tpu.memref_slice %arg16[%dma_start3A_74, %dma_start3A_75] : memref<10112x128xf32, #tpu.memory_space<vmem_shared>> -> memref<10112x128xf32, #tpu.memory_space<vmem_shared>>
      tpu.enqueue_indirect_dma source(%arg13 : memref<128x128xf32, #tpu.memory_space<vmem>>) target(%dma_start3A_76 : memref<10112x128xf32, #tpu.memory_space<vmem_shared>>) offsets(%arg10 : memref<128xi32, #tpu.memory_space<vmem>>) semaphore(%run_scoped3A : memref<!tpu.dma_semaphore, #tpu.memory_space<semaphore_mem>>) {add = true}
      %dma_wait3A_77 = arith.constant 0 : i32
      %dma_wait3A_78 = arith.constant 0 : i32
      %dma_wait3A_79 = tpu.memref_slice %arg16[%dma_wait3A_77, %dma_wait3A_78] : memref<10112x128xf32, #tpu.memory_space<vmem_shared>> -> memref<10112x128xf32, #tpu.memory_space<vmem_shared>>
      tpu.wait_indirect_dma semaphore(%run_scoped3A : memref<!tpu.dma_semaphore, #tpu.memory_space<semaphore_mem>>) src(%arg13 : memref<128x128xf32, #tpu.memory_space<vmem>>) dst(%dma_wait3A_79 : memref<10112x128xf32, #tpu.memory_space<vmem_shared>>)
      tpu.yield
    }) : () -> ()
    %dma_wait3A_47 = arith.constant 0 : i32
    %dma_wait3A_48 = arith.constant 0 : i32
    %dma_wait3A_49 = tpu.memref_slice %arg4[%dma_wait3A_47, %dma_wait3A_48] : memref<10000x128xf32, #tpu.memory_space<hbm>> -> memref<128x128xf32, #tpu.memory_space<hbm>>
    %dma_wait3A_50 = arith.constant 0 : i32
    %dma_wait3A_51 = arith.constant 0 : i32
    %dma_wait3A_52 = tpu.memref_slice %arg4[%dma_wait3A_50, %dma_wait3A_51] : memref<10000x128xf32, #tpu.memory_space<hbm>> -> memref<128x128xf32, #tpu.memory_space<hbm>>
    tpu.wait_dma2 semaphore(%arg18 : memref<!tpu.dma_semaphore, #tpu.memory_space<semaphore_mem>>) src(%dma_wait3A_52 : memref<128x128xf32, #tpu.memory_space<hbm>>) dst(%arg14 : memref<128x128xf32, #tpu.memory_space<vmem>>)
    %dma_wait3A_53 = arith.constant 0 : i32
    %dma_wait3A_54 = tpu.memref_slice %arg3[%dma_wait3A_53] : memref<320000xi32, #tpu.memory_space<hbm>> -> memref<128xi32, #tpu.memory_space<hbm>>
    %dma_wait3A_55 = arith.constant 0 : i32
    %dma_wait3A_56 = tpu.memref_slice %arg3[%dma_wait3A_55] : memref<320000xi32, #tpu.memory_space<hbm>> -> memref<128xi32, #tpu.memory_space<hbm>>
    tpu.wait_dma2 semaphore(%arg21 : memref<!tpu.dma_semaphore, #tpu.memory_space<semaphore_mem>>) src(%dma_wait3A_56 : memref<128xi32, #tpu.memory_space<hbm>>) dst(%arg11 : memref<128xi32, #tpu.memory_space<vmem>>)
    "tpu.region"() ({
      %run_scoped3A = tpu.sem_alloc : memref<!tpu.dma_semaphore, #tpu.memory_space<semaphore_mem>>
      %dma_start3A_74 = arith.constant 0 : i32
      %dma_start3A_75 = arith.constant 0 : i32
      %dma_start3A_76 = tpu.memref_slice %arg16[%dma_start3A_74, %dma_start3A_75] : memref<10112x128xf32, #tpu.memory_space<vmem_shared>> -> memref<10112x128xf32, #tpu.memory_space<vmem_shared>>
      tpu.enqueue_indirect_dma source(%arg14 : memref<128x128xf32, #tpu.memory_space<vmem>>) target(%dma_start3A_76 : memref<10112x128xf32, #tpu.memory_space<vmem_shared>>) offsets(%arg11 : memref<128xi32, #tpu.memory_space<vmem>>) semaphore(%run_scoped3A : memref<!tpu.dma_semaphore, #tpu.memory_space<semaphore_mem>>) {add = true}
      %dma_wait3A_77 = arith.constant 0 : i32
      %dma_wait3A_78 = arith.constant 0 : i32
      %dma_wait3A_79 = tpu.memref_slice %arg16[%dma_wait3A_77, %dma_wait3A_78] : memref<10112x128xf32, #tpu.memory_space<vmem_shared>> -> memref<10112x128xf32, #tpu.memory_space<vmem_shared>>
      tpu.wait_indirect_dma semaphore(%run_scoped3A : memref<!tpu.dma_semaphore, #tpu.memory_space<semaphore_mem>>) src(%arg14 : memref<128x128xf32, #tpu.memory_space<vmem>>) dst(%dma_wait3A_79 : memref<10112x128xf32, #tpu.memory_space<vmem_shared>>)
      tpu.yield
    }) : () -> ()
    %dma_wait3A_57 = arith.constant 0 : i32
    %dma_wait3A_58 = arith.constant 0 : i32
    %dma_wait3A_59 = tpu.memref_slice %arg4[%dma_wait3A_57, %dma_wait3A_58] : memref<10000x128xf32, #tpu.memory_space<hbm>> -> memref<128x128xf32, #tpu.memory_space<hbm>>
    %dma_wait3A_60 = arith.constant 0 : i32
    %dma_wait3A_61 = arith.constant 0 : i32
    %dma_wait3A_62 = tpu.memref_slice %arg4[%dma_wait3A_60, %dma_wait3A_61] : memref<10000x128xf32, #tpu.memory_space<hbm>> -> memref<128x128xf32, #tpu.memory_space<hbm>>
    tpu.wait_dma2 semaphore(%arg19 : memref<!tpu.dma_semaphore, #tpu.memory_space<semaphore_mem>>) src(%dma_wait3A_62 : memref<128x128xf32, #tpu.memory_space<hbm>>) dst(%arg15 : memref<128x128xf32, #tpu.memory_space<vmem>>)
    %dma_wait3A_63 = arith.constant 0 : i32
    %dma_wait3A_64 = tpu.memref_slice %arg3[%dma_wait3A_63] : memref<320000xi32, #tpu.memory_space<hbm>> -> memref<128xi32, #tpu.memory_space<hbm>>
    %dma_wait3A_65 = arith.constant 0 : i32
    %dma_wait3A_66 = tpu.memref_slice %arg3[%dma_wait3A_65] : memref<320000xi32, #tpu.memory_space<hbm>> -> memref<128xi32, #tpu.memory_space<hbm>>
    tpu.wait_dma2 semaphore(%arg22 : memref<!tpu.dma_semaphore, #tpu.memory_space<semaphore_mem>>) src(%dma_wait3A_66 : memref<128xi32, #tpu.memory_space<hbm>>) dst(%arg12 : memref<128xi32, #tpu.memory_space<vmem>>)
    "tpu.region"() ({
      %run_scoped3A = tpu.sem_alloc : memref<!tpu.dma_semaphore, #tpu.memory_space<semaphore_mem>>
      %dma_start3A_74 = arith.constant 0 : i32
      %dma_start3A_75 = arith.constant 0 : i32
      %dma_start3A_76 = tpu.memref_slice %arg16[%dma_start3A_74, %dma_start3A_75] : memref<10112x128xf32, #tpu.memory_space<vmem_shared>> -> memref<10112x128xf32, #tpu.memory_space<vmem_shared>>
      tpu.enqueue_indirect_dma source(%arg15 : memref<128x128xf32, #tpu.memory_space<vmem>>) target(%dma_start3A_76 : memref<10112x128xf32, #tpu.memory_space<vmem_shared>>) offsets(%arg12 : memref<128xi32, #tpu.memory_space<vmem>>) semaphore(%run_scoped3A : memref<!tpu.dma_semaphore, #tpu.memory_space<semaphore_mem>>) {add = true}
      %dma_wait3A_77 = arith.constant 0 : i32
      %dma_wait3A_78 = arith.constant 0 : i32
      %dma_wait3A_79 = tpu.memref_slice %arg16[%dma_wait3A_77, %dma_wait3A_78] : memref<10112x128xf32, #tpu.memory_space<vmem_shared>> -> memref<10112x128xf32, #tpu.memory_space<vmem_shared>>
      tpu.wait_indirect_dma semaphore(%run_scoped3A : memref<!tpu.dma_semaphore, #tpu.memory_space<semaphore_mem>>) src(%arg15 : memref<128x128xf32, #tpu.memory_space<vmem>>) dst(%dma_wait3A_79 : memref<10112x128xf32, #tpu.memory_space<vmem_shared>>)
      tpu.yield
    }) : () -> ()
    %lt3A = arith.constant 4 : i32
    %lt3A_67 = arith.cmpi slt, %add3A, %lt3A : i32
    %convert_element_type3A = arith.extui %lt3A_67 : i1 to i32
    %cond3A = arith.constant 0 : i32
    %cond3A_68 = arith.cmpi ne, %convert_element_type3A, %cond3A : i32
    scf.if %cond3A_68 {
      %add3A_74 = arith.constant 2496 : i32
      %add3A_75 = arith.addi %add3A_74, %add3A : i32
      %mul3A_76 = arith.constant 128 : i32
      %mul3A_77 = arith.muli %add3A_75, %mul3A_76 : i32
      "tpu.region"() ({
        %run_scoped3A = tpu.sem_alloc : memref<!tpu.dma_semaphore, #tpu.memory_space<semaphore_mem>>
        %dma_start3A_84 = tpu.memref_slice %arg2[%mul3A_77] : memref<320000xi32, #tpu.memory_space<hbm>> -> memref<128xi32, #tpu.memory_space<hbm>>
        %dma_start3A_85 = tpu.memref_slice %arg2[%mul3A_77] : memref<320000xi32, #tpu.memory_space<hbm>> -> memref<128xi32, #tpu.memory_space<hbm>>
        tpu.enqueue_dma source(%dma_start3A_85 : memref<128xi32, #tpu.memory_space<hbm>>) target(%arg7 : memref<128xi32, #tpu.memory_space<vmem>>) target_semaphore(%run_scoped3A : memref<!tpu.dma_semaphore, #tpu.memory_space<semaphore_mem>>)
        %dma_wait3A_86 = tpu.memref_slice %arg2[%mul3A_77] : memref<320000xi32, #tpu.memory_space<hbm>> -> memref<128xi32, #tpu.memory_space<hbm>>
        %dma_wait3A_87 = tpu.memref_slice %arg2[%mul3A_77] : memref<320000xi32, #tpu.memory_space<hbm>> -> memref<128xi32, #tpu.memory_space<hbm>>
        tpu.wait_dma2 semaphore(%run_scoped3A : memref<!tpu.dma_semaphore, #tpu.memory_space<semaphore_mem>>) src(%dma_wait3A_87 : memref<128xi32, #tpu.memory_space<hbm>>) dst(%arg7 : memref<128xi32, #tpu.memory_space<vmem>>)
        tpu.yield
      }) : () -> ()
      "tpu.region"() ({
        %run_scoped3A = tpu.sem_alloc : memref<!tpu.dma_semaphore, #tpu.memory_space<semaphore_mem>>
        %dma_start3A_84 = tpu.memref_slice %arg3[%mul3A_77] : memref<320000xi32, #tpu.memory_space<hbm>> -> memref<128xi32, #tpu.memory_space<hbm>>
        %dma_start3A_85 = tpu.memref_slice %arg3[%mul3A_77] : memref<320000xi32, #tpu.memory_space<hbm>> -> memref<128xi32, #tpu.memory_space<hbm>>
        tpu.enqueue_dma source(%dma_start3A_85 : memref<128xi32, #tpu.memory_space<hbm>>) target(%arg10 : memref<128xi32, #tpu.memory_space<vmem>>) target_semaphore(%run_scoped3A : memref<!tpu.dma_semaphore, #tpu.memory_space<semaphore_mem>>)
        %dma_wait3A_86 = tpu.memref_slice %arg3[%mul3A_77] : memref<320000xi32, #tpu.memory_space<hbm>> -> memref<128xi32, #tpu.memory_space<hbm>>
        %dma_wait3A_87 = tpu.memref_slice %arg3[%mul3A_77] : memref<320000xi32, #tpu.memory_space<hbm>> -> memref<128xi32, #tpu.memory_space<hbm>>
        tpu.wait_dma2 semaphore(%run_scoped3A : memref<!tpu.dma_semaphore, #tpu.memory_space<semaphore_mem>>) src(%dma_wait3A_87 : memref<128xi32, #tpu.memory_space<hbm>>) dst(%arg10 : memref<128xi32, #tpu.memory_space<vmem>>)
        tpu.yield
      }) : () -> ()
      %dma_start3A_78 = arith.constant 0 : i32
      %dma_start3A_79 = arith.constant 0 : i32
      %dma_start3A_80 = tpu.memref_slice %arg4[%dma_start3A_78, %dma_start3A_79] : memref<10000x128xf32, #tpu.memory_space<hbm>> -> memref<10000x128xf32, #tpu.memory_space<hbm>>
      tpu.enqueue_indirect_dma source(%dma_start3A_80 : memref<10000x128xf32, #tpu.memory_space<hbm>>) target(%arg13 : memref<128x128xf32, #tpu.memory_space<vmem>>) offsets(%arg7 : memref<128xi32, #tpu.memory_space<vmem>>) semaphore(%arg17 : memref<!tpu.dma_semaphore, #tpu.memory_space<semaphore_mem>>)
      %dma_wait3A_81 = arith.constant 0 : i32
      %dma_wait3A_82 = arith.constant 0 : i32
      %dma_wait3A_83 = tpu.memref_slice %arg4[%dma_wait3A_81, %dma_wait3A_82] : memref<10000x128xf32, #tpu.memory_space<hbm>> -> memref<10000x128xf32, #tpu.memory_space<hbm>>
      tpu.wait_indirect_dma semaphore(%arg17 : memref<!tpu.dma_semaphore, #tpu.memory_space<semaphore_mem>>) src(%dma_wait3A_83 : memref<10000x128xf32, #tpu.memory_space<hbm>>) dst(%arg13 : memref<128x128xf32, #tpu.memory_space<vmem>>)
      "tpu.region"() ({
        %run_scoped3A = tpu.sem_alloc : memref<!tpu.dma_semaphore, #tpu.memory_space<semaphore_mem>>
        %dma_start3A_84 = arith.constant 0 : i32
        %dma_start3A_85 = arith.constant 0 : i32
        %dma_start3A_86 = tpu.memref_slice %arg16[%dma_start3A_84, %dma_start3A_85] : memref<10112x128xf32, #tpu.memory_space<vmem_shared>> -> memref<10112x128xf32, #tpu.memory_space<vmem_shared>>
        tpu.enqueue_indirect_dma source(%arg13 : memref<128x128xf32, #tpu.memory_space<vmem>>) target(%dma_start3A_86 : memref<10112x128xf32, #tpu.memory_space<vmem_shared>>) offsets(%arg10 : memref<128xi32, #tpu.memory_space<vmem>>) semaphore(%run_scoped3A : memref<!tpu.dma_semaphore, #tpu.memory_space<semaphore_mem>>) {add = true}
        %dma_wait3A_87 = arith.constant 0 : i32
        %dma_wait3A_88 = arith.constant 0 : i32
        %dma_wait3A_89 = tpu.memref_slice %arg16[%dma_wait3A_87, %dma_wait3A_88] : memref<10112x128xf32, #tpu.memory_space<vmem_shared>> -> memref<10112x128xf32, #tpu.memory_space<vmem_shared>>
        tpu.wait_indirect_dma semaphore(%run_scoped3A : memref<!tpu.dma_semaphore, #tpu.memory_space<semaphore_mem>>) src(%arg13 : memref<128x128xf32, #tpu.memory_space<vmem>>) dst(%dma_wait3A_89 : memref<10112x128xf32, #tpu.memory_space<vmem_shared>>)
        tpu.yield
      }) : () -> ()
    } else {
    }
    %barrier3A_69 = arith.constant 0 : index
    tpu.barrier barrier_id(%barrier3A_69)
    %mul3A_70 = arith.constant 632 : i32
    %mul3A_71 = arith.muli %arg1, %mul3A_70 : i32
    %mul3A_72 = arith.constant 632 : i32
    %mul3A_73 = arith.muli %arg1, %mul3A_72 : i32
    "tpu.region"() ({
      %run_scoped3A = tpu.sem_alloc : memref<!tpu.dma_semaphore, #tpu.memory_space<semaphore_mem>>
      %dma_start3A_74 = arith.constant 0 : i32
      %dma_start3A_75 = tpu.memref_slice %arg6[%arg0, %mul3A_73, %dma_start3A_74] : memref<2x10112x128xf32, #tpu.memory_space<hbm>> -> memref<1x632x128xf32, #tpu.memory_space<hbm>>
      %dma_start3A_76 = tpu.memref_squeeze %dma_start3A_75 : memref<1x632x128xf32, #tpu.memory_space<hbm>> -> memref<632x128xf32, #tpu.memory_space<hbm>>
      %dma_start3A_77 = arith.constant 0 : i32
      %dma_start3A_78 = tpu.memref_slice %arg16[%mul3A_71, %dma_start3A_77] : memref<10112x128xf32, #tpu.memory_space<vmem_shared>> -> memref<632x128xf32, #tpu.memory_space<vmem_shared>>
      tpu.enqueue_dma source(%dma_start3A_78 : memref<632x128xf32, #tpu.memory_space<vmem_shared>>) target(%dma_start3A_76 : memref<632x128xf32, #tpu.memory_space<hbm>>) target_semaphore(%run_scoped3A : memref<!tpu.dma_semaphore, #tpu.memory_space<semaphore_mem>>)
      %dma_wait3A_79 = arith.constant 0 : i32
      %dma_wait3A_80 = tpu.memref_slice %arg6[%arg0, %mul3A_73, %dma_wait3A_79] : memref<2x10112x128xf32, #tpu.memory_space<hbm>> -> memref<1x632x128xf32, #tpu.memory_space<hbm>>
      %dma_wait3A_81 = tpu.memref_squeeze %dma_wait3A_80 : memref<1x632x128xf32, #tpu.memory_space<hbm>> -> memref<632x128xf32, #tpu.memory_space<hbm>>
      %dma_wait3A_82 = arith.constant 0 : i32
      %dma_wait3A_83 = tpu.memref_slice %arg16[%mul3A_71, %dma_wait3A_82] : memref<10112x128xf32, #tpu.memory_space<vmem_shared>> -> memref<632x128xf32, #tpu.memory_space<vmem_shared>>
      tpu.wait_dma2 semaphore(%run_scoped3A : memref<!tpu.dma_semaphore, #tpu.memory_space<semaphore_mem>>) src(%dma_wait3A_83 : memref<632x128xf32, #tpu.memory_space<vmem_shared>>) dst(%dma_wait3A_81 : memref<632x128xf32, #tpu.memory_space<hbm>>)
      tpu.yield
    }) : () -> ()
    return
  }
}

#map = affine_map<(d0, d1) -> (0)>
#map1 = affine_map<(d0, d1) -> (0, 0)>
module attributes {stable_mosaic.version = 14 : i64} {
  func.func @_deg_sc(%arg0: i32, %arg1: i32, %arg2: memref<320000xi32, #tpu.memory_space<hbm>>, %arg3: memref<128xf32, #tpu.memory_space<hbm>>, %arg4: memref<640xf32, #tpu.memory_space<hbm>>, %arg5: memref<2x10240xf32, #tpu.memory_space<hbm>>, %arg6: memref<128xi32, #tpu.memory_space<vmem>>, %arg7: memref<128xi32, #tpu.memory_space<vmem>>, %arg8: memref<128xf32, #tpu.memory_space<vmem>>, %arg9: memref<10240xf32, #tpu.memory_space<vmem_shared>>, %arg10: memref<!tpu.dma_semaphore, #tpu.memory_space<semaphore_mem>>, %arg11: memref<!tpu.dma_semaphore, #tpu.memory_space<semaphore_mem>>) attributes {dimension_semantics = [#tpu.dimension_semantics<core_parallel>, #tpu.dimension_semantics<subcore_parallel>], iteration_bounds = array<i64: 2, 16>, scalar_prefetch = 0 : i64, scratch_operands = 6 : i64, tpu.core_type = #tpu.core_type<sc_vector_subcore>, window_params = [{transform_indices = #map}, {transform_indices = #map}, {transform_indices = #map}, {transform_indices = #map1}]} {
    %mul3A = arith.constant 2 : i32
    %mul3A_0 = arith.muli %arg1, %mul3A : i32
    %add3A = arith.addi %mul3A_0, %arg0 : i32
    %mul3A_1 = arith.constant 78 : i32
    %mul3A_2 = arith.muli %add3A, %mul3A_1 : i32
    %mul3A_3 = arith.constant 128 : i32
    %mul3A_4 = arith.muli %mul3A_2, %mul3A_3 : i32
    %add3A_5 = arith.constant 0 : i32
    %add3A_6 = arith.addi %mul3A_4, %add3A_5 : i32
    %dma_start3A = tpu.memref_slice %arg2[%add3A_6] : memref<320000xi32, #tpu.memory_space<hbm>> -> memref<128xi32, #tpu.memory_space<hbm>>
    %dma_start3A_7 = tpu.memref_slice %arg2[%add3A_6] : memref<320000xi32, #tpu.memory_space<hbm>> -> memref<128xi32, #tpu.memory_space<hbm>>
    tpu.enqueue_dma source(%dma_start3A_7 : memref<128xi32, #tpu.memory_space<hbm>>) target(%arg6 : memref<128xi32, #tpu.memory_space<vmem>>) target_semaphore(%arg10 : memref<!tpu.dma_semaphore, #tpu.memory_space<semaphore_mem>>)
    %add3A_8 = arith.constant 128 : i32
    %add3A_9 = arith.addi %mul3A_4, %add3A_8 : i32
    %dma_start3A_10 = tpu.memref_slice %arg2[%add3A_9] : memref<320000xi32, #tpu.memory_space<hbm>> -> memref<128xi32, #tpu.memory_space<hbm>>
    %dma_start3A_11 = tpu.memref_slice %arg2[%add3A_9] : memref<320000xi32, #tpu.memory_space<hbm>> -> memref<128xi32, #tpu.memory_space<hbm>>
    tpu.enqueue_dma source(%dma_start3A_11 : memref<128xi32, #tpu.memory_space<hbm>>) target(%arg7 : memref<128xi32, #tpu.memory_space<vmem>>) target_semaphore(%arg11 : memref<!tpu.dma_semaphore, #tpu.memory_space<semaphore_mem>>)
    "tpu.region"() ({
      %run_scoped3A = tpu.sem_alloc : memref<!tpu.dma_semaphore, #tpu.memory_space<semaphore_mem>>
      tpu.enqueue_dma source(%arg3 : memref<128xf32, #tpu.memory_space<hbm>>) target(%arg8 : memref<128xf32, #tpu.memory_space<vmem>>) target_semaphore(%run_scoped3A : memref<!tpu.dma_semaphore, #tpu.memory_space<semaphore_mem>>)
      tpu.wait_dma2 semaphore(%run_scoped3A : memref<!tpu.dma_semaphore, #tpu.memory_space<semaphore_mem>>) src(%arg3 : memref<128xf32, #tpu.memory_space<hbm>>) dst(%arg8 : memref<128xf32, #tpu.memory_space<vmem>>)
      tpu.yield
    }) : () -> ()
    %mul3A_12 = arith.constant 640 : i32
    %mul3A_13 = arith.muli %arg1, %mul3A_12 : i32
    "tpu.region"() ({
      %run_scoped3A = tpu.sem_alloc : memref<!tpu.dma_semaphore, #tpu.memory_space<semaphore_mem>>
      %dma_start3A_33 = tpu.memref_slice %arg9[%mul3A_13] : memref<10240xf32, #tpu.memory_space<vmem_shared>> -> memref<640xf32, #tpu.memory_space<vmem_shared>>
      tpu.enqueue_dma source(%arg4 : memref<640xf32, #tpu.memory_space<hbm>>) target(%dma_start3A_33 : memref<640xf32, #tpu.memory_space<vmem_shared>>) target_semaphore(%run_scoped3A : memref<!tpu.dma_semaphore, #tpu.memory_space<semaphore_mem>>)
      %dma_wait3A_34 = tpu.memref_slice %arg9[%mul3A_13] : memref<10240xf32, #tpu.memory_space<vmem_shared>> -> memref<640xf32, #tpu.memory_space<vmem_shared>>
      tpu.wait_dma2 semaphore(%run_scoped3A : memref<!tpu.dma_semaphore, #tpu.memory_space<semaphore_mem>>) src(%arg4 : memref<640xf32, #tpu.memory_space<hbm>>) dst(%dma_wait3A_34 : memref<640xf32, #tpu.memory_space<vmem_shared>>)
      tpu.yield
    }) : () -> ()
    %barrier3A = arith.constant 0 : index
    tpu.barrier barrier_id(%barrier3A)
    %scan3A = arith.constant 0 : i32
    %scan3A_14 = arith.constant 0 : i32
    %scan3A_15 = arith.constant 38 : i32
    %scan3A_16 = arith.addi %scan3A_14, %scan3A_15 : i32
    %scan3A_17 = arith.constant 1 : i32
    scf.for %scan3A_33 = %scan3A_14 to %scan3A_16 step %scan3A_17  : i32 {
      %mul3A_34 = arith.constant 2 : i32
      %mul3A_35 = arith.muli %scan3A_33, %mul3A_34 : i32
      %add3A_36 = arith.constant 0 : i32
      %add3A_37 = arith.addi %mul3A_35, %add3A_36 : i32
      %dma_wait3A_38 = arith.constant 0 : i32
      %dma_wait3A_39 = tpu.memref_slice %arg2[%dma_wait3A_38] : memref<320000xi32, #tpu.memory_space<hbm>> -> memref<128xi32, #tpu.memory_space<hbm>>
      %dma_wait3A_40 = arith.constant 0 : i32
      %dma_wait3A_41 = tpu.memref_slice %arg2[%dma_wait3A_40] : memref<320000xi32, #tpu.memory_space<hbm>> -> memref<128xi32, #tpu.memory_space<hbm>>
      tpu.wait_dma2 semaphore(%arg10 : memref<!tpu.dma_semaphore, #tpu.memory_space<semaphore_mem>>) src(%dma_wait3A_41 : memref<128xi32, #tpu.memory_space<hbm>>) dst(%arg6 : memref<128xi32, #tpu.memory_space<vmem>>)
      "tpu.region"() ({
        %run_scoped3A = tpu.sem_alloc : memref<!tpu.dma_semaphore, #tpu.memory_space<semaphore_mem>>
        %dma_start3A_64 = arith.constant 0 : i32
        %dma_start3A_65 = tpu.memref_slice %arg9[%dma_start3A_64] : memref<10240xf32, #tpu.memory_space<vmem_shared>> -> memref<10240xf32, #tpu.memory_space<vmem_shared>>
        tpu.enqueue_indirect_dma source(%arg8 : memref<128xf32, #tpu.memory_space<vmem>>) target(%dma_start3A_65 : memref<10240xf32, #tpu.memory_space<vmem_shared>>) offsets(%arg6 : memref<128xi32, #tpu.memory_space<vmem>>) semaphore(%run_scoped3A : memref<!tpu.dma_semaphore, #tpu.memory_space<semaphore_mem>>) {add = true}
        %dma_wait3A_66 = arith.constant 0 : i32
        %dma_wait3A_67 = tpu.memref_slice %arg9[%dma_wait3A_66] : memref<10240xf32, #tpu.memory_space<vmem_shared>> -> memref<10240xf32, #tpu.memory_space<vmem_shared>>
        tpu.wait_indirect_dma semaphore(%run_scoped3A : memref<!tpu.dma_semaphore, #tpu.memory_space<semaphore_mem>>) src(%arg8 : memref<128xf32, #tpu.memory_space<vmem>>) dst(%dma_wait3A_67 : memref<10240xf32, #tpu.memory_space<vmem_shared>>)
        tpu.yield
      }) : () -> ()
      %add3A_42 = arith.constant 2 : i32
      %add3A_43 = arith.addi %add3A_37, %add3A_42 : i32
      %mul3A_44 = arith.constant 128 : i32
      %mul3A_45 = arith.muli %add3A_43, %mul3A_44 : i32
      %add3A_46 = arith.addi %mul3A_4, %mul3A_45 : i32
      %dma_start3A_47 = tpu.memref_slice %arg2[%add3A_46] : memref<320000xi32, #tpu.memory_space<hbm>> -> memref<128xi32, #tpu.memory_space<hbm>>
      %dma_start3A_48 = tpu.memref_slice %arg2[%add3A_46] : memref<320000xi32, #tpu.memory_space<hbm>> -> memref<128xi32, #tpu.memory_space<hbm>>
      tpu.enqueue_dma source(%dma_start3A_48 : memref<128xi32, #tpu.memory_space<hbm>>) target(%arg6 : memref<128xi32, #tpu.memory_space<vmem>>) target_semaphore(%arg10 : memref<!tpu.dma_semaphore, #tpu.memory_space<semaphore_mem>>)
      %mul3A_49 = arith.constant 2 : i32
      %mul3A_50 = arith.muli %scan3A_33, %mul3A_49 : i32
      %add3A_51 = arith.constant 1 : i32
      %add3A_52 = arith.addi %mul3A_50, %add3A_51 : i32
      %dma_wait3A_53 = arith.constant 0 : i32
      %dma_wait3A_54 = tpu.memref_slice %arg2[%dma_wait3A_53] : memref<320000xi32, #tpu.memory_space<hbm>> -> memref<128xi32, #tpu.memory_space<hbm>>
      %dma_wait3A_55 = arith.constant 0 : i32
      %dma_wait3A_56 = tpu.memref_slice %arg2[%dma_wait3A_55] : memref<320000xi32, #tpu.memory_space<hbm>> -> memref<128xi32, #tpu.memory_space<hbm>>
      tpu.wait_dma2 semaphore(%arg11 : memref<!tpu.dma_semaphore, #tpu.memory_space<semaphore_mem>>) src(%dma_wait3A_56 : memref<128xi32, #tpu.memory_space<hbm>>) dst(%arg7 : memref<128xi32, #tpu.memory_space<vmem>>)
      "tpu.region"() ({
        %run_scoped3A = tpu.sem_alloc : memref<!tpu.dma_semaphore, #tpu.memory_space<semaphore_mem>>
        %dma_start3A_64 = arith.constant 0 : i32
        %dma_start3A_65 = tpu.memref_slice %arg9[%dma_start3A_64] : memref<10240xf32, #tpu.memory_space<vmem_shared>> -> memref<10240xf32, #tpu.memory_space<vmem_shared>>
        tpu.enqueue_indirect_dma source(%arg8 : memref<128xf32, #tpu.memory_space<vmem>>) target(%dma_start3A_65 : memref<10240xf32, #tpu.memory_space<vmem_shared>>) offsets(%arg7 : memref<128xi32, #tpu.memory_space<vmem>>) semaphore(%run_scoped3A : memref<!tpu.dma_semaphore, #tpu.memory_space<semaphore_mem>>) {add = true}
        %dma_wait3A_66 = arith.constant 0 : i32
        %dma_wait3A_67 = tpu.memref_slice %arg9[%dma_wait3A_66] : memref<10240xf32, #tpu.memory_space<vmem_shared>> -> memref<10240xf32, #tpu.memory_space<vmem_shared>>
        tpu.wait_indirect_dma semaphore(%run_scoped3A : memref<!tpu.dma_semaphore, #tpu.memory_space<semaphore_mem>>) src(%arg8 : memref<128xf32, #tpu.memory_space<vmem>>) dst(%dma_wait3A_67 : memref<10240xf32, #tpu.memory_space<vmem_shared>>)
        tpu.yield
      }) : () -> ()
      %add3A_57 = arith.constant 2 : i32
      %add3A_58 = arith.addi %add3A_52, %add3A_57 : i32
      %mul3A_59 = arith.constant 128 : i32
      %mul3A_60 = arith.muli %add3A_58, %mul3A_59 : i32
      %add3A_61 = arith.addi %mul3A_4, %mul3A_60 : i32
      %dma_start3A_62 = tpu.memref_slice %arg2[%add3A_61] : memref<320000xi32, #tpu.memory_space<hbm>> -> memref<128xi32, #tpu.memory_space<hbm>>
      %dma_start3A_63 = tpu.memref_slice %arg2[%add3A_61] : memref<320000xi32, #tpu.memory_space<hbm>> -> memref<128xi32, #tpu.memory_space<hbm>>
      tpu.enqueue_dma source(%dma_start3A_63 : memref<128xi32, #tpu.memory_space<hbm>>) target(%arg7 : memref<128xi32, #tpu.memory_space<vmem>>) target_semaphore(%arg11 : memref<!tpu.dma_semaphore, #tpu.memory_space<semaphore_mem>>)
    }
    %scan3A_18 = arith.constant 38 : i32
    %dma_wait3A = arith.constant 0 : i32
    %dma_wait3A_19 = tpu.memref_slice %arg2[%dma_wait3A] : memref<320000xi32, #tpu.memory_space<hbm>> -> memref<128xi32, #tpu.memory_space<hbm>>
    %dma_wait3A_20 = arith.constant 0 : i32
    %dma_wait3A_21 = tpu.memref_slice %arg2[%dma_wait3A_20] : memref<320000xi32, #tpu.memory_space<hbm>> -> memref<128xi32, #tpu.memory_space<hbm>>
    tpu.wait_dma2 semaphore(%arg10 : memref<!tpu.dma_semaphore, #tpu.memory_space<semaphore_mem>>) src(%dma_wait3A_21 : memref<128xi32, #tpu.memory_space<hbm>>) dst(%arg6 : memref<128xi32, #tpu.memory_space<vmem>>)
    "tpu.region"() ({
      %run_scoped3A = tpu.sem_alloc : memref<!tpu.dma_semaphore, #tpu.memory_space<semaphore_mem>>
      %dma_start3A_33 = arith.constant 0 : i32
      %dma_start3A_34 = tpu.memref_slice %arg9[%dma_start3A_33] : memref<10240xf32, #tpu.memory_space<vmem_shared>> -> memref<10240xf32, #tpu.memory_space<vmem_shared>>
      tpu.enqueue_indirect_dma source(%arg8 : memref<128xf32, #tpu.memory_space<vmem>>) target(%dma_start3A_34 : memref<10240xf32, #tpu.memory_space<vmem_shared>>) offsets(%arg6 : memref<128xi32, #tpu.memory_space<vmem>>) semaphore(%run_scoped3A : memref<!tpu.dma_semaphore, #tpu.memory_space<semaphore_mem>>) {add = true}
      %dma_wait3A_35 = arith.constant 0 : i32
      %dma_wait3A_36 = tpu.memref_slice %arg9[%dma_wait3A_35] : memref<10240xf32, #tpu.memory_space<vmem_shared>> -> memref<10240xf32, #tpu.memory_space<vmem_shared>>
      tpu.wait_indirect_dma semaphore(%run_scoped3A : memref<!tpu.dma_semaphore, #tpu.memory_space<semaphore_mem>>) src(%arg8 : memref<128xf32, #tpu.memory_space<vmem>>) dst(%dma_wait3A_36 : memref<10240xf32, #tpu.memory_space<vmem_shared>>)
      tpu.yield
    }) : () -> ()
    %dma_wait3A_22 = arith.constant 0 : i32
    %dma_wait3A_23 = tpu.memref_slice %arg2[%dma_wait3A_22] : memref<320000xi32, #tpu.memory_space<hbm>> -> memref<128xi32, #tpu.memory_space<hbm>>
    %dma_wait3A_24 = arith.constant 0 : i32
    %dma_wait3A_25 = tpu.memref_slice %arg2[%dma_wait3A_24] : memref<320000xi32, #tpu.memory_space<hbm>> -> memref<128xi32, #tpu.memory_space<hbm>>
    tpu.wait_dma2 semaphore(%arg11 : memref<!tpu.dma_semaphore, #tpu.memory_space<semaphore_mem>>) src(%dma_wait3A_25 : memref<128xi32, #tpu.memory_space<hbm>>) dst(%arg7 : memref<128xi32, #tpu.memory_space<vmem>>)
    "tpu.region"() ({
      %run_scoped3A = tpu.sem_alloc : memref<!tpu.dma_semaphore, #tpu.memory_space<semaphore_mem>>
      %dma_start3A_33 = arith.constant 0 : i32
      %dma_start3A_34 = tpu.memref_slice %arg9[%dma_start3A_33] : memref<10240xf32, #tpu.memory_space<vmem_shared>> -> memref<10240xf32, #tpu.memory_space<vmem_shared>>
      tpu.enqueue_indirect_dma source(%arg8 : memref<128xf32, #tpu.memory_space<vmem>>) target(%dma_start3A_34 : memref<10240xf32, #tpu.memory_space<vmem_shared>>) offsets(%arg7 : memref<128xi32, #tpu.memory_space<vmem>>) semaphore(%run_scoped3A : memref<!tpu.dma_semaphore, #tpu.memory_space<semaphore_mem>>) {add = true}
      %dma_wait3A_35 = arith.constant 0 : i32
      %dma_wait3A_36 = tpu.memref_slice %arg9[%dma_wait3A_35] : memref<10240xf32, #tpu.memory_space<vmem_shared>> -> memref<10240xf32, #tpu.memory_space<vmem_shared>>
      tpu.wait_indirect_dma semaphore(%run_scoped3A : memref<!tpu.dma_semaphore, #tpu.memory_space<semaphore_mem>>) src(%arg8 : memref<128xf32, #tpu.memory_space<vmem>>) dst(%dma_wait3A_36 : memref<10240xf32, #tpu.memory_space<vmem_shared>>)
      tpu.yield
    }) : () -> ()
    %lt3A = arith.constant 4 : i32
    %lt3A_26 = arith.cmpi slt, %add3A, %lt3A : i32
    %convert_element_type3A = arith.extui %lt3A_26 : i1 to i32
    %cond3A = arith.constant 0 : i32
    %cond3A_27 = arith.cmpi ne, %convert_element_type3A, %cond3A : i32
    scf.if %cond3A_27 {
      %add3A_33 = arith.constant 2496 : i32
      %add3A_34 = arith.addi %add3A_33, %add3A : i32
      %mul3A_35 = arith.constant 128 : i32
      %mul3A_36 = arith.muli %add3A_34, %mul3A_35 : i32
      "tpu.region"() ({
        %run_scoped3A = tpu.sem_alloc : memref<!tpu.dma_semaphore, #tpu.memory_space<semaphore_mem>>
        %dma_start3A_37 = tpu.memref_slice %arg2[%mul3A_36] : memref<320000xi32, #tpu.memory_space<hbm>> -> memref<128xi32, #tpu.memory_space<hbm>>
        %dma_start3A_38 = tpu.memref_slice %arg2[%mul3A_36] : memref<320000xi32, #tpu.memory_space<hbm>> -> memref<128xi32, #tpu.memory_space<hbm>>
        tpu.enqueue_dma source(%dma_start3A_38 : memref<128xi32, #tpu.memory_space<hbm>>) target(%arg6 : memref<128xi32, #tpu.memory_space<vmem>>) target_semaphore(%run_scoped3A : memref<!tpu.dma_semaphore, #tpu.memory_space<semaphore_mem>>)
        %dma_wait3A_39 = tpu.memref_slice %arg2[%mul3A_36] : memref<320000xi32, #tpu.memory_space<hbm>> -> memref<128xi32, #tpu.memory_space<hbm>>
        %dma_wait3A_40 = tpu.memref_slice %arg2[%mul3A_36] : memref<320000xi32, #tpu.memory_space<hbm>> -> memref<128xi32, #tpu.memory_space<hbm>>
        tpu.wait_dma2 semaphore(%run_scoped3A : memref<!tpu.dma_semaphore, #tpu.memory_space<semaphore_mem>>) src(%dma_wait3A_40 : memref<128xi32, #tpu.memory_space<hbm>>) dst(%arg6 : memref<128xi32, #tpu.memory_space<vmem>>)
        tpu.yield
      }) : () -> ()
      "tpu.region"() ({
        %run_scoped3A = tpu.sem_alloc : memref<!tpu.dma_semaphore, #tpu.memory_space<semaphore_mem>>
        %dma_start3A_37 = arith.constant 0 : i32
        %dma_start3A_38 = tpu.memref_slice %arg9[%dma_start3A_37] : memref<10240xf32, #tpu.memory_space<vmem_shared>> -> memref<10240xf32, #tpu.memory_space<vmem_shared>>
        tpu.enqueue_indirect_dma source(%arg8 : memref<128xf32, #tpu.memory_space<vmem>>) target(%dma_start3A_38 : memref<10240xf32, #tpu.memory_space<vmem_shared>>) offsets(%arg6 : memref<128xi32, #tpu.memory_space<vmem>>) semaphore(%run_scoped3A : memref<!tpu.dma_semaphore, #tpu.memory_space<semaphore_mem>>) {add = true}
        %dma_wait3A_39 = arith.constant 0 : i32
        %dma_wait3A_40 = tpu.memref_slice %arg9[%dma_wait3A_39] : memref<10240xf32, #tpu.memory_space<vmem_shared>> -> memref<10240xf32, #tpu.memory_space<vmem_shared>>
        tpu.wait_indirect_dma semaphore(%run_scoped3A : memref<!tpu.dma_semaphore, #tpu.memory_space<semaphore_mem>>) src(%arg8 : memref<128xf32, #tpu.memory_space<vmem>>) dst(%dma_wait3A_40 : memref<10240xf32, #tpu.memory_space<vmem_shared>>)
        tpu.yield
      }) : () -> ()
    } else {
    }
    %barrier3A_28 = arith.constant 0 : index
    tpu.barrier barrier_id(%barrier3A_28)
    %mul3A_29 = arith.constant 640 : i32
    %mul3A_30 = arith.muli %arg1, %mul3A_29 : i32
    %mul3A_31 = arith.constant 640 : i32
    %mul3A_32 = arith.muli %arg1, %mul3A_31 : i32
    "tpu.region"() ({
      %run_scoped3A = tpu.sem_alloc : memref<!tpu.dma_semaphore, #tpu.memory_space<semaphore_mem>>
      %dma_start3A_33 = tpu.memref_slice %arg5[%arg0, %mul3A_32] : memref<2x10240xf32, #tpu.memory_space<hbm>> -> memref<1x640xf32, #tpu.memory_space<hbm>>
      %dma_start3A_34 = tpu.memref_squeeze %dma_start3A_33 : memref<1x640xf32, #tpu.memory_space<hbm>> -> memref<640xf32, #tpu.memory_space<hbm>>
      %dma_start3A_35 = tpu.memref_slice %arg9[%mul3A_30] : memref<10240xf32, #tpu.memory_space<vmem_shared>> -> memref<640xf32, #tpu.memory_space<vmem_shared>>
      tpu.enqueue_dma source(%dma_start3A_35 : memref<640xf32, #tpu.memory_space<vmem_shared>>) target(%dma_start3A_34 : memref<640xf32, #tpu.memory_space<hbm>>) target_semaphore(%run_scoped3A : memref<!tpu.dma_semaphore, #tpu.memory_space<semaphore_mem>>)
      %dma_wait3A_36 = tpu.memref_slice %arg5[%arg0, %mul3A_32] : memref<2x10240xf32, #tpu.memory_space<hbm>> -> memref<1x640xf32, #tpu.memory_space<hbm>>
      %dma_wait3A_37 = tpu.memref_squeeze %dma_wait3A_36 : memref<1x640xf32, #tpu.memory_space<hbm>> -> memref<640xf32, #tpu.memory_space<hbm>>
      %dma_wait3A_38 = tpu.memref_slice %arg9[%mul3A_30] : memref<10240xf32, #tpu.memory_space<vmem_shared>> -> memref<640xf32, #tpu.memory_space<vmem_shared>>
      tpu.wait_dma2 semaphore(%run_scoped3A : memref<!tpu.dma_semaphore, #tpu.memory_space<semaphore_mem>>) src(%dma_wait3A_38 : memref<640xf32, #tpu.memory_space<vmem_shared>>) dst(%dma_wait3A_37 : memref<640xf32, #tpu.memory_space<hbm>>)
      tpu.yield
    }) : () -> ()
    return
  }
}

#map = affine_map<(d0, d1) -> (0)>
#map1 = affine_map<(d0, d1) -> (0, 0)>
#map2 = affine_map<(d0, d1) -> (0, 0, 0)>
module attributes {stable_mosaic.version = 14 : i64} {
  func.func @_agg_sc(%arg0: i32, %arg1: i32, %arg2: memref<320000xi32, #tpu.memory_space<hbm>>, %arg3: memref<320000xi32, #tpu.memory_space<hbm>>, %arg4: memref<10000x128xf32, #tpu.memory_space<hbm>>, %arg5: memref<632x128xf32, #tpu.memory_space<hbm>>, %arg6: memref<2x10112x128xf32, #tpu.memory_space<hbm>>, %arg7: memref<128xi32, #tpu.memory_space<vmem>>, %arg8: memref<128xi32, #tpu.memory_space<vmem>>, %arg9: memref<128xi32, #tpu.memory_space<vmem>>, %arg10: memref<128xi32, #tpu.memory_space<vmem>>, %arg11: memref<128xi32, #tpu.memory_space<vmem>>, %arg12: memref<128xi32, #tpu.memory_space<vmem>>, %arg13: memref<128x128xf32, #tpu.memory_space<vmem>>, %arg14: memref<128x128xf32, #tpu.memory_space<vmem>>, %arg15: memref<128x128xf32, #tpu.memory_space<vmem>>, %arg16: memref<10112x128xf32, #tpu.memory_space<vmem_shared>>, %arg17: memref<!tpu.dma_semaphore, #tpu.memory_space<semaphore_mem>>, %arg18: memref<!tpu.dma_semaphore, #tpu.memory_space<semaphore_mem>>, %arg19: memref<!tpu.dma_semaphore, #tpu.memory_space<semaphore_mem>>, %arg20: memref<!tpu.dma_semaphore, #tpu.memory_space<semaphore_mem>>, %arg21: memref<!tpu.dma_semaphore, #tpu.memory_space<semaphore_mem>>, %arg22: memref<!tpu.dma_semaphore, #tpu.memory_space<semaphore_mem>>) attributes {dimension_semantics = [#tpu.dimension_semantics<core_parallel>, #tpu.dimension_semantics<subcore_parallel>], iteration_bounds = array<i64: 2, 16>, scalar_prefetch = 0 : i64, scratch_operands = 16 : i64, tpu.core_type = #tpu.core_type<sc_vector_subcore>, window_params = [{transform_indices = #map}, {transform_indices = #map}, {transform_indices = #map1}, {transform_indices = #map1}, {transform_indices = #map2}]} {
    %mul3A = arith.constant 2 : i32
    %mul3A_0 = arith.muli %arg1, %mul3A : i32
    %add3A = arith.addi %mul3A_0, %arg0 : i32
    %mul3A_1 = arith.constant 78 : i32
    %mul3A_2 = arith.muli %add3A, %mul3A_1 : i32
    %mul3A_3 = arith.constant 128 : i32
    %mul3A_4 = arith.muli %mul3A_2, %mul3A_3 : i32
    %add3A_5 = arith.constant 0 : i32
    %add3A_6 = arith.addi %mul3A_4, %add3A_5 : i32
    "tpu.region"() ({
      %run_scoped3A = tpu.sem_alloc : memref<!tpu.dma_semaphore, #tpu.memory_space<semaphore_mem>>
      %dma_start3A_74 = tpu.memref_slice %arg2[%add3A_6] : memref<320000xi32, #tpu.memory_space<hbm>> -> memref<128xi32, #tpu.memory_space<hbm>>
      %dma_start3A_75 = tpu.memref_slice %arg2[%add3A_6] : memref<320000xi32, #tpu.memory_space<hbm>> -> memref<128xi32, #tpu.memory_space<hbm>>
      tpu.enqueue_dma source(%dma_start3A_75 : memref<128xi32, #tpu.memory_space<hbm>>) target(%arg7 : memref<128xi32, #tpu.memory_space<vmem>>) target_semaphore(%run_scoped3A : memref<!tpu.dma_semaphore, #tpu.memory_space<semaphore_mem>>)
      %dma_wait3A_76 = tpu.memref_slice %arg2[%add3A_6] : memref<320000xi32, #tpu.memory_space<hbm>> -> memref<128xi32, #tpu.memory_space<hbm>>
      %dma_wait3A_77 = tpu.memref_slice %arg2[%add3A_6] : memref<320000xi32, #tpu.memory_space<hbm>> -> memref<128xi32, #tpu.memory_space<hbm>>
      tpu.wait_dma2 semaphore(%run_scoped3A : memref<!tpu.dma_semaphore, #tpu.memory_space<semaphore_mem>>) src(%dma_wait3A_77 : memref<128xi32, #tpu.memory_space<hbm>>) dst(%arg7 : memref<128xi32, #tpu.memory_space<vmem>>)
      tpu.yield
    }) : () -> ()
    %add3A_7 = arith.constant 0 : i32
    %add3A_8 = arith.addi %mul3A_4, %add3A_7 : i32
    %dma_start3A = tpu.memref_slice %arg3[%add3A_8] : memref<320000xi32, #tpu.memory_space<hbm>> -> memref<128xi32, #tpu.memory_space<hbm>>
    %dma_start3A_9 = tpu.memref_slice %arg3[%add3A_8] : memref<320000xi32, #tpu.memory_space<hbm>> -> memref<128xi32, #tpu.memory_space<hbm>>
    tpu.enqueue_dma source(%dma_start3A_9 : memref<128xi32, #tpu.memory_space<hbm>>) target(%arg10 : memref<128xi32, #tpu.memory_space<vmem>>) target_semaphore(%arg20 : memref<!tpu.dma_semaphore, #tpu.memory_space<semaphore_mem>>)
    %dma_start3A_10 = arith.constant 0 : i32
    %dma_start3A_11 = arith.constant 0 : i32
    %dma_start3A_12 = tpu.memref_slice %arg4[%dma_start3A_10, %dma_start3A_11] : memref<10000x128xf32, #tpu.memory_space<hbm>> -> memref<10000x128xf32, #tpu.memory_space<hbm>>
    tpu.enqueue_indirect_dma source(%dma_start3A_12 : memref<10000x128xf32, #tpu.memory_space<hbm>>) target(%arg13 : memref<128x128xf32, #tpu.memory_space<vmem>>) offsets(%arg7 : memref<128xi32, #tpu.memory_space<vmem>>) semaphore(%arg17 : memref<!tpu.dma_semaphore, #tpu.memory_space<semaphore_mem>>)
    %add3A_13 = arith.constant 128 : i32
    %add3A_14 = arith.addi %mul3A_4, %add3A_13 : i32
    "tpu.region"() ({
      %run_scoped3A = tpu.sem_alloc : memref<!tpu.dma_semaphore, #tpu.memory_space<semaphore_mem>>
      %dma_start3A_74 = tpu.memref_slice %arg2[%add3A_14] : memref<320000xi32, #tpu.memory_space<hbm>> -> memref<128xi32, #tpu.memory_space<hbm>>
      %dma_start3A_75 = tpu.memref_slice %arg2[%add3A_14] : memref<320000xi32, #tpu.memory_space<hbm>> -> memref<128xi32, #tpu.memory_space<hbm>>
      tpu.enqueue_dma source(%dma_start3A_75 : memref<128xi32, #tpu.memory_space<hbm>>) target(%arg8 : memref<128xi32, #tpu.memory_space<vmem>>) target_semaphore(%run_scoped3A : memref<!tpu.dma_semaphore, #tpu.memory_space<semaphore_mem>>)
      %dma_wait3A_76 = tpu.memref_slice %arg2[%add3A_14] : memref<320000xi32, #tpu.memory_space<hbm>> -> memref<128xi32, #tpu.memory_space<hbm>>
      %dma_wait3A_77 = tpu.memref_slice %arg2[%add3A_14] : memref<320000xi32, #tpu.memory_space<hbm>> -> memref<128xi32, #tpu.memory_space<hbm>>
      tpu.wait_dma2 semaphore(%run_scoped3A : memref<!tpu.dma_semaphore, #tpu.memory_space<semaphore_mem>>) src(%dma_wait3A_77 : memref<128xi32, #tpu.memory_space<hbm>>) dst(%arg8 : memref<128xi32, #tpu.memory_space<vmem>>)
      tpu.yield
    }) : () -> ()
    %add3A_15 = arith.constant 128 : i32
    %add3A_16 = arith.addi %mul3A_4, %add3A_15 : i32
    %dma_start3A_17 = tpu.memref_slice %arg3[%add3A_16] : memref<320000xi32, #tpu.memory_space<hbm>> -> memref<128xi32, #tpu.memory_space<hbm>>
    %dma_start3A_18 = tpu.memref_slice %arg3[%add3A_16] : memref<320000xi32, #tpu.memory_space<hbm>> -> memref<128xi32, #tpu.memory_space<hbm>>
    tpu.enqueue_dma source(%dma_start3A_18 : memref<128xi32, #tpu.memory_space<hbm>>) target(%arg11 : memref<128xi32, #tpu.memory_space<vmem>>) target_semaphore(%arg21 : memref<!tpu.dma_semaphore, #tpu.memory_space<semaphore_mem>>)
    %dma_start3A_19 = arith.constant 0 : i32
    %dma_start3A_20 = arith.constant 0 : i32
    %dma_start3A_21 = tpu.memref_slice %arg4[%dma_start3A_19, %dma_start3A_20] : memref<10000x128xf32, #tpu.memory_space<hbm>> -> memref<10000x128xf32, #tpu.memory_space<hbm>>
    tpu.enqueue_indirect_dma source(%dma_start3A_21 : memref<10000x128xf32, #tpu.memory_space<hbm>>) target(%arg14 : memref<128x128xf32, #tpu.memory_space<vmem>>) offsets(%arg8 : memref<128xi32, #tpu.memory_space<vmem>>) semaphore(%arg18 : memref<!tpu.dma_semaphore, #tpu.memory_space<semaphore_mem>>)
    %add3A_22 = arith.constant 256 : i32
    %add3A_23 = arith.addi %mul3A_4, %add3A_22 : i32
    "tpu.region"() ({
      %run_scoped3A = tpu.sem_alloc : memref<!tpu.dma_semaphore, #tpu.memory_space<semaphore_mem>>
      %dma_start3A_74 = tpu.memref_slice %arg2[%add3A_23] : memref<320000xi32, #tpu.memory_space<hbm>> -> memref<128xi32, #tpu.memory_space<hbm>>
      %dma_start3A_75 = tpu.memref_slice %arg2[%add3A_23] : memref<320000xi32, #tpu.memory_space<hbm>> -> memref<128xi32, #tpu.memory_space<hbm>>
      tpu.enqueue_dma source(%dma_start3A_75 : memref<128xi32, #tpu.memory_space<hbm>>) target(%arg9 : memref<128xi32, #tpu.memory_space<vmem>>) target_semaphore(%run_scoped3A : memref<!tpu.dma_semaphore, #tpu.memory_space<semaphore_mem>>)
      %dma_wait3A_76 = tpu.memref_slice %arg2[%add3A_23] : memref<320000xi32, #tpu.memory_space<hbm>> -> memref<128xi32, #tpu.memory_space<hbm>>
      %dma_wait3A_77 = tpu.memref_slice %arg2[%add3A_23] : memref<320000xi32, #tpu.memory_space<hbm>> -> memref<128xi32, #tpu.memory_space<hbm>>
      tpu.wait_dma2 semaphore(%run_scoped3A : memref<!tpu.dma_semaphore, #tpu.memory_space<semaphore_mem>>) src(%dma_wait3A_77 : memref<128xi32, #tpu.memory_space<hbm>>) dst(%arg9 : memref<128xi32, #tpu.memory_space<vmem>>)
      tpu.yield
    }) : () -> ()
    %add3A_24 = arith.constant 256 : i32
    %add3A_25 = arith.addi %mul3A_4, %add3A_24 : i32
    %dma_start3A_26 = tpu.memref_slice %arg3[%add3A_25] : memref<320000xi32, #tpu.memory_space<hbm>> -> memref<128xi32, #tpu.memory_space<hbm>>
    %dma_start3A_27 = tpu.memref_slice %arg3[%add3A_25] : memref<320000xi32, #tpu.memory_space<hbm>> -> memref<128xi32, #tpu.memory_space<hbm>>
    tpu.enqueue_dma source(%dma_start3A_27 : memref<128xi32, #tpu.memory_space<hbm>>) target(%arg12 : memref<128xi32, #tpu.memory_space<vmem>>) target_semaphore(%arg22 : memref<!tpu.dma_semaphore, #tpu.memory_space<semaphore_mem>>)
    %dma_start3A_28 = arith.constant 0 : i32
    %dma_start3A_29 = arith.constant 0 : i32
    %dma_start3A_30 = tpu.memref_slice %arg4[%dma_start3A_28, %dma_start3A_29] : memref<10000x128xf32, #tpu.memory_space<hbm>> -> memref<10000x128xf32, #tpu.memory_space<hbm>>
    tpu.enqueue_indirect_dma source(%dma_start3A_30 : memref<10000x128xf32, #tpu.memory_space<hbm>>) target(%arg15 : memref<128x128xf32, #tpu.memory_space<vmem>>) offsets(%arg9 : memref<128xi32, #tpu.memory_space<vmem>>) semaphore(%arg19 : memref<!tpu.dma_semaphore, #tpu.memory_space<semaphore_mem>>)
    %mul3A_31 = arith.constant 632 : i32
    %mul3A_32 = arith.muli %arg1, %mul3A_31 : i32
    "tpu.region"() ({
      %run_scoped3A = tpu.sem_alloc : memref<!tpu.dma_semaphore, #tpu.memory_space<semaphore_mem>>
      %dma_start3A_74 = arith.constant 0 : i32
      %dma_start3A_75 = tpu.memref_slice %arg16[%mul3A_32, %dma_start3A_74] : memref<10112x128xf32, #tpu.memory_space<vmem_shared>> -> memref<632x128xf32, #tpu.memory_space<vmem_shared>>
      tpu.enqueue_dma source(%arg5 : memref<632x128xf32, #tpu.memory_space<hbm>>) target(%dma_start3A_75 : memref<632x128xf32, #tpu.memory_space<vmem_shared>>) target_semaphore(%run_scoped3A : memref<!tpu.dma_semaphore, #tpu.memory_space<semaphore_mem>>)
      %dma_wait3A_76 = arith.constant 0 : i32
      %dma_wait3A_77 = tpu.memref_slice %arg16[%mul3A_32, %dma_wait3A_76] : memref<10112x128xf32, #tpu.memory_space<vmem_shared>> -> memref<632x128xf32, #tpu.memory_space<vmem_shared>>
      tpu.wait_dma2 semaphore(%run_scoped3A : memref<!tpu.dma_semaphore, #tpu.memory_space<semaphore_mem>>) src(%arg5 : memref<632x128xf32, #tpu.memory_space<hbm>>) dst(%dma_wait3A_77 : memref<632x128xf32, #tpu.memory_space<vmem_shared>>)
      tpu.yield
    }) : () -> ()
    %barrier3A = arith.constant 0 : index
    tpu.barrier barrier_id(%barrier3A)
    %scan3A = arith.constant 0 : i32
    %scan3A_33 = arith.constant 0 : i32
    %scan3A_34 = arith.constant 25 : i32
    %scan3A_35 = arith.addi %scan3A_33, %scan3A_34 : i32
    %scan3A_36 = arith.constant 1 : i32
    scf.for %scan3A_74 = %scan3A_33 to %scan3A_35 step %scan3A_36  : i32 {
      %mul3A_75 = arith.constant 3 : i32
      %mul3A_76 = arith.muli %scan3A_74, %mul3A_75 : i32
      %add3A_77 = arith.constant 0 : i32
      %add3A_78 = arith.addi %mul3A_76, %add3A_77 : i32
      %dma_wait3A_79 = arith.constant 0 : i32
      %dma_wait3A_80 = arith.constant 0 : i32
      %dma_wait3A_81 = tpu.memref_slice %arg4[%dma_wait3A_79, %dma_wait3A_80] : memref<10000x128xf32, #tpu.memory_space<hbm>> -> memref<128x128xf32, #tpu.memory_space<hbm>>
      %dma_wait3A_82 = arith.constant 0 : i32
      %dma_wait3A_83 = arith.constant 0 : i32
      %dma_wait3A_84 = tpu.memref_slice %arg4[%dma_wait3A_82, %dma_wait3A_83] : memref<10000x128xf32, #tpu.memory_space<hbm>> -> memref<128x128xf32, #tpu.memory_space<hbm>>
      tpu.wait_dma2 semaphore(%arg17 : memref<!tpu.dma_semaphore, #tpu.memory_space<semaphore_mem>>) src(%dma_wait3A_84 : memref<128x128xf32, #tpu.memory_space<hbm>>) dst(%arg13 : memref<128x128xf32, #tpu.memory_space<vmem>>)
      %dma_wait3A_85 = arith.constant 0 : i32
      %dma_wait3A_86 = tpu.memref_slice %arg3[%dma_wait3A_85] : memref<320000xi32, #tpu.memory_space<hbm>> -> memref<128xi32, #tpu.memory_space<hbm>>
      %dma_wait3A_87 = arith.constant 0 : i32
      %dma_wait3A_88 = tpu.memref_slice %arg3[%dma_wait3A_87] : memref<320000xi32, #tpu.memory_space<hbm>> -> memref<128xi32, #tpu.memory_space<hbm>>
      tpu.wait_dma2 semaphore(%arg20 : memref<!tpu.dma_semaphore, #tpu.memory_space<semaphore_mem>>) src(%dma_wait3A_88 : memref<128xi32, #tpu.memory_space<hbm>>) dst(%arg10 : memref<128xi32, #tpu.memory_space<vmem>>)
      "tpu.region"() ({
        %run_scoped3A = tpu.sem_alloc : memref<!tpu.dma_semaphore, #tpu.memory_space<semaphore_mem>>
        %dma_start3A_147 = arith.constant 0 : i32
        %dma_start3A_148 = arith.constant 0 : i32
        %dma_start3A_149 = tpu.memref_slice %arg16[%dma_start3A_147, %dma_start3A_148] : memref<10112x128xf32, #tpu.memory_space<vmem_shared>> -> memref<10112x128xf32, #tpu.memory_space<vmem_shared>>
        tpu.enqueue_indirect_dma source(%arg13 : memref<128x128xf32, #tpu.memory_space<vmem>>) target(%dma_start3A_149 : memref<10112x128xf32, #tpu.memory_space<vmem_shared>>) offsets(%arg10 : memref<128xi32, #tpu.memory_space<vmem>>) semaphore(%run_scoped3A : memref<!tpu.dma_semaphore, #tpu.memory_space<semaphore_mem>>) {add = true}
        %dma_wait3A_150 = arith.constant 0 : i32
        %dma_wait3A_151 = arith.constant 0 : i32
        %dma_wait3A_152 = tpu.memref_slice %arg16[%dma_wait3A_150, %dma_wait3A_151] : memref<10112x128xf32, #tpu.memory_space<vmem_shared>> -> memref<10112x128xf32, #tpu.memory_space<vmem_shared>>
        tpu.wait_indirect_dma semaphore(%run_scoped3A : memref<!tpu.dma_semaphore, #tpu.memory_space<semaphore_mem>>) src(%arg13 : memref<128x128xf32, #tpu.memory_space<vmem>>) dst(%dma_wait3A_152 : memref<10112x128xf32, #tpu.memory_space<vmem_shared>>)
        tpu.yield
      }) : () -> ()
      %add3A_89 = arith.constant 3 : i32
      %add3A_90 = arith.addi %add3A_78, %add3A_89 : i32
      %mul3A_91 = arith.constant 128 : i32
      %mul3A_92 = arith.muli %add3A_90, %mul3A_91 : i32
      %add3A_93 = arith.addi %mul3A_4, %mul3A_92 : i32
      %dma_start3A_94 = tpu.memref_slice %arg3[%add3A_93] : memref<320000xi32, #tpu.memory_space<hbm>> -> memref<128xi32, #tpu.memory_space<hbm>>
      %dma_start3A_95 = tpu.memref_slice %arg3[%add3A_93] : memref<320000xi32, #tpu.memory_space<hbm>> -> memref<128xi32, #tpu.memory_space<hbm>>
      tpu.enqueue_dma source(%dma_start3A_95 : memref<128xi32, #tpu.memory_space<hbm>>) target(%arg10 : memref<128xi32, #tpu.memory_space<vmem>>) target_semaphore(%arg20 : memref<!tpu.dma_semaphore, #tpu.memory_space<semaphore_mem>>)
      "tpu.region"() ({
        %run_scoped3A = tpu.sem_alloc : memref<!tpu.dma_semaphore, #tpu.memory_space<semaphore_mem>>
        %dma_start3A_147 = tpu.memref_slice %arg2[%add3A_93] : memref<320000xi32, #tpu.memory_space<hbm>> -> memref<128xi32, #tpu.memory_space<hbm>>
        %dma_start3A_148 = tpu.memref_slice %arg2[%add3A_93] : memref<320000xi32, #tpu.memory_space<hbm>> -> memref<128xi32, #tpu.memory_space<hbm>>
        tpu.enqueue_dma source(%dma_start3A_148 : memref<128xi32, #tpu.memory_space<hbm>>) target(%arg7 : memref<128xi32, #tpu.memory_space<vmem>>) target_semaphore(%run_scoped3A : memref<!tpu.dma_semaphore, #tpu.memory_space<semaphore_mem>>)
        %dma_wait3A_149 = tpu.memref_slice %arg2[%add3A_93] : memref<320000xi32, #tpu.memory_space<hbm>> -> memref<128xi32, #tpu.memory_space<hbm>>
        %dma_wait3A_150 = tpu.memref_slice %arg2[%add3A_93] : memref<320000xi32, #tpu.memory_space<hbm>> -> memref<128xi32, #tpu.memory_space<hbm>>
        tpu.wait_dma2 semaphore(%run_scoped3A : memref<!tpu.dma_semaphore, #tpu.memory_space<semaphore_mem>>) src(%dma_wait3A_150 : memref<128xi32, #tpu.memory_space<hbm>>) dst(%arg7 : memref<128xi32, #tpu.memory_space<vmem>>)
        tpu.yield
      }) : () -> ()
      %dma_start3A_96 = arith.constant 0 : i32
      %dma_start3A_97 = arith.constant 0 : i32
      %dma_start3A_98 = tpu.memref_slice %arg4[%dma_start3A_96, %dma_start3A_97] : memref<10000x128xf32, #tpu.memory_space<hbm>> -> memref<10000x128xf32, #tpu.memory_space<hbm>>
      tpu.enqueue_indirect_dma source(%dma_start3A_98 : memref<10000x128xf32, #tpu.memory_space<hbm>>) target(%arg13 : memref<128x128xf32, #tpu.memory_space<vmem>>) offsets(%arg7 : memref<128xi32, #tpu.memory_space<vmem>>) semaphore(%arg17 : memref<!tpu.dma_semaphore, #tpu.memory_space<semaphore_mem>>)
      %mul3A_99 = arith.constant 3 : i32
      %mul3A_100 = arith.muli %scan3A_74, %mul3A_99 : i32
      %add3A_101 = arith.constant 1 : i32
      %add3A_102 = arith.addi %mul3A_100, %add3A_101 : i32
      %dma_wait3A_103 = arith.constant 0 : i32
      %dma_wait3A_104 = arith.constant 0 : i32
      %dma_wait3A_105 = tpu.memref_slice %arg4[%dma_wait3A_103, %dma_wait3A_104] : memref<10000x128xf32, #tpu.memory_space<hbm>> -> memref<128x128xf32, #tpu.memory_space<hbm>>
      %dma_wait3A_106 = arith.constant 0 : i32
      %dma_wait3A_107 = arith.constant 0 : i32
      %dma_wait3A_108 = tpu.memref_slice %arg4[%dma_wait3A_106, %dma_wait3A_107] : memref<10000x128xf32, #tpu.memory_space<hbm>> -> memref<128x128xf32, #tpu.memory_space<hbm>>
      tpu.wait_dma2 semaphore(%arg18 : memref<!tpu.dma_semaphore, #tpu.memory_space<semaphore_mem>>) src(%dma_wait3A_108 : memref<128x128xf32, #tpu.memory_space<hbm>>) dst(%arg14 : memref<128x128xf32, #tpu.memory_space<vmem>>)
      %dma_wait3A_109 = arith.constant 0 : i32
      %dma_wait3A_110 = tpu.memref_slice %arg3[%dma_wait3A_109] : memref<320000xi32, #tpu.memory_space<hbm>> -> memref<128xi32, #tpu.memory_space<hbm>>
      %dma_wait3A_111 = arith.constant 0 : i32
      %dma_wait3A_112 = tpu.memref_slice %arg3[%dma_wait3A_111] : memref<320000xi32, #tpu.memory_space<hbm>> -> memref<128xi32, #tpu.memory_space<hbm>>
      tpu.wait_dma2 semaphore(%arg21 : memref<!tpu.dma_semaphore, #tpu.memory_space<semaphore_mem>>) src(%dma_wait3A_112 : memref<128xi32, #tpu.memory_space<hbm>>) dst(%arg11 : memref<128xi32, #tpu.memory_space<vmem>>)
      "tpu.region"() ({
        %run_scoped3A = tpu.sem_alloc : memref<!tpu.dma_semaphore, #tpu.memory_space<semaphore_mem>>
        %dma_start3A_147 = arith.constant 0 : i32
        %dma_start3A_148 = arith.constant 0 : i32
        %dma_start3A_149 = tpu.memref_slice %arg16[%dma_start3A_147, %dma_start3A_148] : memref<10112x128xf32, #tpu.memory_space<vmem_shared>> -> memref<10112x128xf32, #tpu.memory_space<vmem_shared>>
        tpu.enqueue_indirect_dma source(%arg14 : memref<128x128xf32, #tpu.memory_space<vmem>>) target(%dma_start3A_149 : memref<10112x128xf32, #tpu.memory_space<vmem_shared>>) offsets(%arg11 : memref<128xi32, #tpu.memory_space<vmem>>) semaphore(%run_scoped3A : memref<!tpu.dma_semaphore, #tpu.memory_space<semaphore_mem>>) {add = true}
        %dma_wait3A_150 = arith.constant 0 : i32
        %dma_wait3A_151 = arith.constant 0 : i32
        %dma_wait3A_152 = tpu.memref_slice %arg16[%dma_wait3A_150, %dma_wait3A_151] : memref<10112x128xf32, #tpu.memory_space<vmem_shared>> -> memref<10112x128xf32, #tpu.memory_space<vmem_shared>>
        tpu.wait_indirect_dma semaphore(%run_scoped3A : memref<!tpu.dma_semaphore, #tpu.memory_space<semaphore_mem>>) src(%arg14 : memref<128x128xf32, #tpu.memory_space<vmem>>) dst(%dma_wait3A_152 : memref<10112x128xf32, #tpu.memory_space<vmem_shared>>)
        tpu.yield
      }) : () -> ()
      %add3A_113 = arith.constant 3 : i32
      %add3A_114 = arith.addi %add3A_102, %add3A_113 : i32
      %mul3A_115 = arith.constant 128 : i32
      %mul3A_116 = arith.muli %add3A_114, %mul3A_115 : i32
      %add3A_117 = arith.addi %mul3A_4, %mul3A_116 : i32
      %dma_start3A_118 = tpu.memref_slice %arg3[%add3A_117] : memref<320000xi32, #tpu.memory_space<hbm>> -> memref<128xi32, #tpu.memory_space<hbm>>
      %dma_start3A_119 = tpu.memref_slice %arg3[%add3A_117] : memref<320000xi32, #tpu.memory_space<hbm>> -> memref<128xi32, #tpu.memory_space<hbm>>
      tpu.enqueue_dma source(%dma_start3A_119 : memref<128xi32, #tpu.memory_space<hbm>>) target(%arg11 : memref<128xi32, #tpu.memory_space<vmem>>) target_semaphore(%arg21 : memref<!tpu.dma_semaphore, #tpu.memory_space<semaphore_mem>>)
      "tpu.region"() ({
        %run_scoped3A = tpu.sem_alloc : memref<!tpu.dma_semaphore, #tpu.memory_space<semaphore_mem>>
        %dma_start3A_147 = tpu.memref_slice %arg2[%add3A_117] : memref<320000xi32, #tpu.memory_space<hbm>> -> memref<128xi32, #tpu.memory_space<hbm>>
        %dma_start3A_148 = tpu.memref_slice %arg2[%add3A_117] : memref<320000xi32, #tpu.memory_space<hbm>> -> memref<128xi32, #tpu.memory_space<hbm>>
        tpu.enqueue_dma source(%dma_start3A_148 : memref<128xi32, #tpu.memory_space<hbm>>) target(%arg8 : memref<128xi32, #tpu.memory_space<vmem>>) target_semaphore(%run_scoped3A : memref<!tpu.dma_semaphore, #tpu.memory_space<semaphore_mem>>)
        %dma_wait3A_149 = tpu.memref_slice %arg2[%add3A_117] : memref<320000xi32, #tpu.memory_space<hbm>> -> memref<128xi32, #tpu.memory_space<hbm>>
        %dma_wait3A_150 = tpu.memref_slice %arg2[%add3A_117] : memref<320000xi32, #tpu.memory_space<hbm>> -> memref<128xi32, #tpu.memory_space<hbm>>
        tpu.wait_dma2 semaphore(%run_scoped3A : memref<!tpu.dma_semaphore, #tpu.memory_space<semaphore_mem>>) src(%dma_wait3A_150 : memref<128xi32, #tpu.memory_space<hbm>>) dst(%arg8 : memref<128xi32, #tpu.memory_space<vmem>>)
        tpu.yield
      }) : () -> ()
      %dma_start3A_120 = arith.constant 0 : i32
      %dma_start3A_121 = arith.constant 0 : i32
      %dma_start3A_122 = tpu.memref_slice %arg4[%dma_start3A_120, %dma_start3A_121] : memref<10000x128xf32, #tpu.memory_space<hbm>> -> memref<10000x128xf32, #tpu.memory_space<hbm>>
      tpu.enqueue_indirect_dma source(%dma_start3A_122 : memref<10000x128xf32, #tpu.memory_space<hbm>>) target(%arg14 : memref<128x128xf32, #tpu.memory_space<vmem>>) offsets(%arg8 : memref<128xi32, #tpu.memory_space<vmem>>) semaphore(%arg18 : memref<!tpu.dma_semaphore, #tpu.memory_space<semaphore_mem>>)
      %mul3A_123 = arith.constant 3 : i32
      %mul3A_124 = arith.muli %scan3A_74, %mul3A_123 : i32
      %add3A_125 = arith.constant 2 : i32
      %add3A_126 = arith.addi %mul3A_124, %add3A_125 : i32
      %dma_wait3A_127 = arith.constant 0 : i32
      %dma_wait3A_128 = arith.constant 0 : i32
      %dma_wait3A_129 = tpu.memref_slice %arg4[%dma_wait3A_127, %dma_wait3A_128] : memref<10000x128xf32, #tpu.memory_space<hbm>> -> memref<128x128xf32, #tpu.memory_space<hbm>>
      %dma_wait3A_130 = arith.constant 0 : i32
      %dma_wait3A_131 = arith.constant 0 : i32
      %dma_wait3A_132 = tpu.memref_slice %arg4[%dma_wait3A_130, %dma_wait3A_131] : memref<10000x128xf32, #tpu.memory_space<hbm>> -> memref<128x128xf32, #tpu.memory_space<hbm>>
      tpu.wait_dma2 semaphore(%arg19 : memref<!tpu.dma_semaphore, #tpu.memory_space<semaphore_mem>>) src(%dma_wait3A_132 : memref<128x128xf32, #tpu.memory_space<hbm>>) dst(%arg15 : memref<128x128xf32, #tpu.memory_space<vmem>>)
      %dma_wait3A_133 = arith.constant 0 : i32
      %dma_wait3A_134 = tpu.memref_slice %arg3[%dma_wait3A_133] : memref<320000xi32, #tpu.memory_space<hbm>> -> memref<128xi32, #tpu.memory_space<hbm>>
      %dma_wait3A_135 = arith.constant 0 : i32
      %dma_wait3A_136 = tpu.memref_slice %arg3[%dma_wait3A_135] : memref<320000xi32, #tpu.memory_space<hbm>> -> memref<128xi32, #tpu.memory_space<hbm>>
      tpu.wait_dma2 semaphore(%arg22 : memref<!tpu.dma_semaphore, #tpu.memory_space<semaphore_mem>>) src(%dma_wait3A_136 : memref<128xi32, #tpu.memory_space<hbm>>) dst(%arg12 : memref<128xi32, #tpu.memory_space<vmem>>)
      "tpu.region"() ({
        %run_scoped3A = tpu.sem_alloc : memref<!tpu.dma_semaphore, #tpu.memory_space<semaphore_mem>>
        %dma_start3A_147 = arith.constant 0 : i32
        %dma_start3A_148 = arith.constant 0 : i32
        %dma_start3A_149 = tpu.memref_slice %arg16[%dma_start3A_147, %dma_start3A_148] : memref<10112x128xf32, #tpu.memory_space<vmem_shared>> -> memref<10112x128xf32, #tpu.memory_space<vmem_shared>>
        tpu.enqueue_indirect_dma source(%arg15 : memref<128x128xf32, #tpu.memory_space<vmem>>) target(%dma_start3A_149 : memref<10112x128xf32, #tpu.memory_space<vmem_shared>>) offsets(%arg12 : memref<128xi32, #tpu.memory_space<vmem>>) semaphore(%run_scoped3A : memref<!tpu.dma_semaphore, #tpu.memory_space<semaphore_mem>>) {add = true}
        %dma_wait3A_150 = arith.constant 0 : i32
        %dma_wait3A_151 = arith.constant 0 : i32
        %dma_wait3A_152 = tpu.memref_slice %arg16[%dma_wait3A_150, %dma_wait3A_151] : memref<10112x128xf32, #tpu.memory_space<vmem_shared>> -> memref<10112x128xf32, #tpu.memory_space<vmem_shared>>
        tpu.wait_indirect_dma semaphore(%run_scoped3A : memref<!tpu.dma_semaphore, #tpu.memory_space<semaphore_mem>>) src(%arg15 : memref<128x128xf32, #tpu.memory_space<vmem>>) dst(%dma_wait3A_152 : memref<10112x128xf32, #tpu.memory_space<vmem_shared>>)
        tpu.yield
      }) : () -> ()
      %add3A_137 = arith.constant 3 : i32
      %add3A_138 = arith.addi %add3A_126, %add3A_137 : i32
      %mul3A_139 = arith.constant 128 : i32
      %mul3A_140 = arith.muli %add3A_138, %mul3A_139 : i32
      %add3A_141 = arith.addi %mul3A_4, %mul3A_140 : i32
      %dma_start3A_142 = tpu.memref_slice %arg3[%add3A_141] : memref<320000xi32, #tpu.memory_space<hbm>> -> memref<128xi32, #tpu.memory_space<hbm>>
      %dma_start3A_143 = tpu.memref_slice %arg3[%add3A_141] : memref<320000xi32, #tpu.memory_space<hbm>> -> memref<128xi32, #tpu.memory_space<hbm>>
      tpu.enqueue_dma source(%dma_start3A_143 : memref<128xi32, #tpu.memory_space<hbm>>) target(%arg12 : memref<128xi32, #tpu.memory_space<vmem>>) target_semaphore(%arg22 : memref<!tpu.dma_semaphore, #tpu.memory_space<semaphore_mem>>)
      "tpu.region"() ({
        %run_scoped3A = tpu.sem_alloc : memref<!tpu.dma_semaphore, #tpu.memory_space<semaphore_mem>>
        %dma_start3A_147 = tpu.memref_slice %arg2[%add3A_141] : memref<320000xi32, #tpu.memory_space<hbm>> -> memref<128xi32, #tpu.memory_space<hbm>>
        %dma_start3A_148 = tpu.memref_slice %arg2[%add3A_141] : memref<320000xi32, #tpu.memory_space<hbm>> -> memref<128xi32, #tpu.memory_space<hbm>>
        tpu.enqueue_dma source(%dma_start3A_148 : memref<128xi32, #tpu.memory_space<hbm>>) target(%arg9 : memref<128xi32, #tpu.memory_space<vmem>>) target_semaphore(%run_scoped3A : memref<!tpu.dma_semaphore, #tpu.memory_space<semaphore_mem>>)
        %dma_wait3A_149 = tpu.memref_slice %arg2[%add3A_141] : memref<320000xi32, #tpu.memory_space<hbm>> -> memref<128xi32, #tpu.memory_space<hbm>>
        %dma_wait3A_150 = tpu.memref_slice %arg2[%add3A_141] : memref<320000xi32, #tpu.memory_space<hbm>> -> memref<128xi32, #tpu.memory_space<hbm>>
        tpu.wait_dma2 semaphore(%run_scoped3A : memref<!tpu.dma_semaphore, #tpu.memory_space<semaphore_mem>>) src(%dma_wait3A_150 : memref<128xi32, #tpu.memory_space<hbm>>) dst(%arg9 : memref<128xi32, #tpu.memory_space<vmem>>)
        tpu.yield
      }) : () -> ()
      %dma_start3A_144 = arith.constant 0 : i32
      %dma_start3A_145 = arith.constant 0 : i32
      %dma_start3A_146 = tpu.memref_slice %arg4[%dma_start3A_144, %dma_start3A_145] : memref<10000x128xf32, #tpu.memory_space<hbm>> -> memref<10000x128xf32, #tpu.memory_space<hbm>>
      tpu.enqueue_indirect_dma source(%dma_start3A_146 : memref<10000x128xf32, #tpu.memory_space<hbm>>) target(%arg15 : memref<128x128xf32, #tpu.memory_space<vmem>>) offsets(%arg9 : memref<128xi32, #tpu.memory_space<vmem>>) semaphore(%arg19 : memref<!tpu.dma_semaphore, #tpu.memory_space<semaphore_mem>>)
    }
    %scan3A_37 = arith.constant 25 : i32
    %dma_wait3A = arith.constant 0 : i32
    %dma_wait3A_38 = arith.constant 0 : i32
    %dma_wait3A_39 = tpu.memref_slice %arg4[%dma_wait3A, %dma_wait3A_38] : memref<10000x128xf32, #tpu.memory_space<hbm>> -> memref<128x128xf32, #tpu.memory_space<hbm>>
    %dma_wait3A_40 = arith.constant 0 : i32
    %dma_wait3A_41 = arith.constant 0 : i32
    %dma_wait3A_42 = tpu.memref_slice %arg4[%dma_wait3A_40, %dma_wait3A_41] : memref<10000x128xf32, #tpu.memory_space<hbm>> -> memref<128x128xf32, #tpu.memory_space<hbm>>
    tpu.wait_dma2 semaphore(%arg17 : memref<!tpu.dma_semaphore, #tpu.memory_space<semaphore_mem>>) src(%dma_wait3A_42 : memref<128x128xf32, #tpu.memory_space<hbm>>) dst(%arg13 : memref<128x128xf32, #tpu.memory_space<vmem>>)
    %dma_wait3A_43 = arith.constant 0 : i32
    %dma_wait3A_44 = tpu.memref_slice %arg3[%dma_wait3A_43] : memref<320000xi32, #tpu.memory_space<hbm>> -> memref<128xi32, #tpu.memory_space<hbm>>
    %dma_wait3A_45 = arith.constant 0 : i32
    %dma_wait3A_46 = tpu.memref_slice %arg3[%dma_wait3A_45] : memref<320000xi32, #tpu.memory_space<hbm>> -> memref<128xi32, #tpu.memory_space<hbm>>
    tpu.wait_dma2 semaphore(%arg20 : memref<!tpu.dma_semaphore, #tpu.memory_space<semaphore_mem>>) src(%dma_wait3A_46 : memref<128xi32, #tpu.memory_space<hbm>>) dst(%arg10 : memref<128xi32, #tpu.memory_space<vmem>>)
    "tpu.region"() ({
      %run_scoped3A = tpu.sem_alloc : memref<!tpu.dma_semaphore, #tpu.memory_space<semaphore_mem>>
      %dma_start3A_74 = arith.constant 0 : i32
      %dma_start3A_75 = arith.constant 0 : i32
      %dma_start3A_76 = tpu.memref_slice %arg16[%dma_start3A_74, %dma_start3A_75] : memref<10112x128xf32, #tpu.memory_space<vmem_shared>> -> memref<10112x128xf32, #tpu.memory_space<vmem_shared>>
      tpu.enqueue_indirect_dma source(%arg13 : memref<128x128xf32, #tpu.memory_space<vmem>>) target(%dma_start3A_76 : memref<10112x128xf32, #tpu.memory_space<vmem_shared>>) offsets(%arg10 : memref<128xi32, #tpu.memory_space<vmem>>) semaphore(%run_scoped3A : memref<!tpu.dma_semaphore, #tpu.memory_space<semaphore_mem>>) {add = true}
      %dma_wait3A_77 = arith.constant 0 : i32
      %dma_wait3A_78 = arith.constant 0 : i32
      %dma_wait3A_79 = tpu.memref_slice %arg16[%dma_wait3A_77, %dma_wait3A_78] : memref<10112x128xf32, #tpu.memory_space<vmem_shared>> -> memref<10112x128xf32, #tpu.memory_space<vmem_shared>>
      tpu.wait_indirect_dma semaphore(%run_scoped3A : memref<!tpu.dma_semaphore, #tpu.memory_space<semaphore_mem>>) src(%arg13 : memref<128x128xf32, #tpu.memory_space<vmem>>) dst(%dma_wait3A_79 : memref<10112x128xf32, #tpu.memory_space<vmem_shared>>)
      tpu.yield
    }) : () -> ()
    %dma_wait3A_47 = arith.constant 0 : i32
    %dma_wait3A_48 = arith.constant 0 : i32
    %dma_wait3A_49 = tpu.memref_slice %arg4[%dma_wait3A_47, %dma_wait3A_48] : memref<10000x128xf32, #tpu.memory_space<hbm>> -> memref<128x128xf32, #tpu.memory_space<hbm>>
    %dma_wait3A_50 = arith.constant 0 : i32
    %dma_wait3A_51 = arith.constant 0 : i32
    %dma_wait3A_52 = tpu.memref_slice %arg4[%dma_wait3A_50, %dma_wait3A_51] : memref<10000x128xf32, #tpu.memory_space<hbm>> -> memref<128x128xf32, #tpu.memory_space<hbm>>
    tpu.wait_dma2 semaphore(%arg18 : memref<!tpu.dma_semaphore, #tpu.memory_space<semaphore_mem>>) src(%dma_wait3A_52 : memref<128x128xf32, #tpu.memory_space<hbm>>) dst(%arg14 : memref<128x128xf32, #tpu.memory_space<vmem>>)
    %dma_wait3A_53 = arith.constant 0 : i32
    %dma_wait3A_54 = tpu.memref_slice %arg3[%dma_wait3A_53] : memref<320000xi32, #tpu.memory_space<hbm>> -> memref<128xi32, #tpu.memory_space<hbm>>
    %dma_wait3A_55 = arith.constant 0 : i32
    %dma_wait3A_56 = tpu.memref_slice %arg3[%dma_wait3A_55] : memref<320000xi32, #tpu.memory_space<hbm>> -> memref<128xi32, #tpu.memory_space<hbm>>
    tpu.wait_dma2 semaphore(%arg21 : memref<!tpu.dma_semaphore, #tpu.memory_space<semaphore_mem>>) src(%dma_wait3A_56 : memref<128xi32, #tpu.memory_space<hbm>>) dst(%arg11 : memref<128xi32, #tpu.memory_space<vmem>>)
    "tpu.region"() ({
      %run_scoped3A = tpu.sem_alloc : memref<!tpu.dma_semaphore, #tpu.memory_space<semaphore_mem>>
      %dma_start3A_74 = arith.constant 0 : i32
      %dma_start3A_75 = arith.constant 0 : i32
      %dma_start3A_76 = tpu.memref_slice %arg16[%dma_start3A_74, %dma_start3A_75] : memref<10112x128xf32, #tpu.memory_space<vmem_shared>> -> memref<10112x128xf32, #tpu.memory_space<vmem_shared>>
      tpu.enqueue_indirect_dma source(%arg14 : memref<128x128xf32, #tpu.memory_space<vmem>>) target(%dma_start3A_76 : memref<10112x128xf32, #tpu.memory_space<vmem_shared>>) offsets(%arg11 : memref<128xi32, #tpu.memory_space<vmem>>) semaphore(%run_scoped3A : memref<!tpu.dma_semaphore, #tpu.memory_space<semaphore_mem>>) {add = true}
      %dma_wait3A_77 = arith.constant 0 : i32
      %dma_wait3A_78 = arith.constant 0 : i32
      %dma_wait3A_79 = tpu.memref_slice %arg16[%dma_wait3A_77, %dma_wait3A_78] : memref<10112x128xf32, #tpu.memory_space<vmem_shared>> -> memref<10112x128xf32, #tpu.memory_space<vmem_shared>>
      tpu.wait_indirect_dma semaphore(%run_scoped3A : memref<!tpu.dma_semaphore, #tpu.memory_space<semaphore_mem>>) src(%arg14 : memref<128x128xf32, #tpu.memory_space<vmem>>) dst(%dma_wait3A_79 : memref<10112x128xf32, #tpu.memory_space<vmem_shared>>)
      tpu.yield
    }) : () -> ()
    %dma_wait3A_57 = arith.constant 0 : i32
    %dma_wait3A_58 = arith.constant 0 : i32
    %dma_wait3A_59 = tpu.memref_slice %arg4[%dma_wait3A_57, %dma_wait3A_58] : memref<10000x128xf32, #tpu.memory_space<hbm>> -> memref<128x128xf32, #tpu.memory_space<hbm>>
    %dma_wait3A_60 = arith.constant 0 : i32
    %dma_wait3A_61 = arith.constant 0 : i32
    %dma_wait3A_62 = tpu.memref_slice %arg4[%dma_wait3A_60, %dma_wait3A_61] : memref<10000x128xf32, #tpu.memory_space<hbm>> -> memref<128x128xf32, #tpu.memory_space<hbm>>
    tpu.wait_dma2 semaphore(%arg19 : memref<!tpu.dma_semaphore, #tpu.memory_space<semaphore_mem>>) src(%dma_wait3A_62 : memref<128x128xf32, #tpu.memory_space<hbm>>) dst(%arg15 : memref<128x128xf32, #tpu.memory_space<vmem>>)
    %dma_wait3A_63 = arith.constant 0 : i32
    %dma_wait3A_64 = tpu.memref_slice %arg3[%dma_wait3A_63] : memref<320000xi32, #tpu.memory_space<hbm>> -> memref<128xi32, #tpu.memory_space<hbm>>
    %dma_wait3A_65 = arith.constant 0 : i32
    %dma_wait3A_66 = tpu.memref_slice %arg3[%dma_wait3A_65] : memref<320000xi32, #tpu.memory_space<hbm>> -> memref<128xi32, #tpu.memory_space<hbm>>
    tpu.wait_dma2 semaphore(%arg22 : memref<!tpu.dma_semaphore, #tpu.memory_space<semaphore_mem>>) src(%dma_wait3A_66 : memref<128xi32, #tpu.memory_space<hbm>>) dst(%arg12 : memref<128xi32, #tpu.memory_space<vmem>>)
    "tpu.region"() ({
      %run_scoped3A = tpu.sem_alloc : memref<!tpu.dma_semaphore, #tpu.memory_space<semaphore_mem>>
      %dma_start3A_74 = arith.constant 0 : i32
      %dma_start3A_75 = arith.constant 0 : i32
      %dma_start3A_76 = tpu.memref_slice %arg16[%dma_start3A_74, %dma_start3A_75] : memref<10112x128xf32, #tpu.memory_space<vmem_shared>> -> memref<10112x128xf32, #tpu.memory_space<vmem_shared>>
      tpu.enqueue_indirect_dma source(%arg15 : memref<128x128xf32, #tpu.memory_space<vmem>>) target(%dma_start3A_76 : memref<10112x128xf32, #tpu.memory_space<vmem_shared>>) offsets(%arg12 : memref<128xi32, #tpu.memory_space<vmem>>) semaphore(%run_scoped3A : memref<!tpu.dma_semaphore, #tpu.memory_space<semaphore_mem>>) {add = true}
      %dma_wait3A_77 = arith.constant 0 : i32
      %dma_wait3A_78 = arith.constant 0 : i32
      %dma_wait3A_79 = tpu.memref_slice %arg16[%dma_wait3A_77, %dma_wait3A_78] : memref<10112x128xf32, #tpu.memory_space<vmem_shared>> -> memref<10112x128xf32, #tpu.memory_space<vmem_shared>>
      tpu.wait_indirect_dma semaphore(%run_scoped3A : memref<!tpu.dma_semaphore, #tpu.memory_space<semaphore_mem>>) src(%arg15 : memref<128x128xf32, #tpu.memory_space<vmem>>) dst(%dma_wait3A_79 : memref<10112x128xf32, #tpu.memory_space<vmem_shared>>)
      tpu.yield
    }) : () -> ()
    %lt3A = arith.constant 4 : i32
    %lt3A_67 = arith.cmpi slt, %add3A, %lt3A : i32
    %convert_element_type3A = arith.extui %lt3A_67 : i1 to i32
    %cond3A = arith.constant 0 : i32
    %cond3A_68 = arith.cmpi ne, %convert_element_type3A, %cond3A : i32
    scf.if %cond3A_68 {
      %add3A_74 = arith.constant 2496 : i32
      %add3A_75 = arith.addi %add3A_74, %add3A : i32
      %mul3A_76 = arith.constant 128 : i32
      %mul3A_77 = arith.muli %add3A_75, %mul3A_76 : i32
      "tpu.region"() ({
        %run_scoped3A = tpu.sem_alloc : memref<!tpu.dma_semaphore, #tpu.memory_space<semaphore_mem>>
        %dma_start3A_84 = tpu.memref_slice %arg2[%mul3A_77] : memref<320000xi32, #tpu.memory_space<hbm>> -> memref<128xi32, #tpu.memory_space<hbm>>
        %dma_start3A_85 = tpu.memref_slice %arg2[%mul3A_77] : memref<320000xi32, #tpu.memory_space<hbm>> -> memref<128xi32, #tpu.memory_space<hbm>>
        tpu.enqueue_dma source(%dma_start3A_85 : memref<128xi32, #tpu.memory_space<hbm>>) target(%arg7 : memref<128xi32, #tpu.memory_space<vmem>>) target_semaphore(%run_scoped3A : memref<!tpu.dma_semaphore, #tpu.memory_space<semaphore_mem>>)
        %dma_wait3A_86 = tpu.memref_slice %arg2[%mul3A_77] : memref<320000xi32, #tpu.memory_space<hbm>> -> memref<128xi32, #tpu.memory_space<hbm>>
        %dma_wait3A_87 = tpu.memref_slice %arg2[%mul3A_77] : memref<320000xi32, #tpu.memory_space<hbm>> -> memref<128xi32, #tpu.memory_space<hbm>>
        tpu.wait_dma2 semaphore(%run_scoped3A : memref<!tpu.dma_semaphore, #tpu.memory_space<semaphore_mem>>) src(%dma_wait3A_87 : memref<128xi32, #tpu.memory_space<hbm>>) dst(%arg7 : memref<128xi32, #tpu.memory_space<vmem>>)
        tpu.yield
      }) : () -> ()
      "tpu.region"() ({
        %run_scoped3A = tpu.sem_alloc : memref<!tpu.dma_semaphore, #tpu.memory_space<semaphore_mem>>
        %dma_start3A_84 = tpu.memref_slice %arg3[%mul3A_77] : memref<320000xi32, #tpu.memory_space<hbm>> -> memref<128xi32, #tpu.memory_space<hbm>>
        %dma_start3A_85 = tpu.memref_slice %arg3[%mul3A_77] : memref<320000xi32, #tpu.memory_space<hbm>> -> memref<128xi32, #tpu.memory_space<hbm>>
        tpu.enqueue_dma source(%dma_start3A_85 : memref<128xi32, #tpu.memory_space<hbm>>) target(%arg10 : memref<128xi32, #tpu.memory_space<vmem>>) target_semaphore(%run_scoped3A : memref<!tpu.dma_semaphore, #tpu.memory_space<semaphore_mem>>)
        %dma_wait3A_86 = tpu.memref_slice %arg3[%mul3A_77] : memref<320000xi32, #tpu.memory_space<hbm>> -> memref<128xi32, #tpu.memory_space<hbm>>
        %dma_wait3A_87 = tpu.memref_slice %arg3[%mul3A_77] : memref<320000xi32, #tpu.memory_space<hbm>> -> memref<128xi32, #tpu.memory_space<hbm>>
        tpu.wait_dma2 semaphore(%run_scoped3A : memref<!tpu.dma_semaphore, #tpu.memory_space<semaphore_mem>>) src(%dma_wait3A_87 : memref<128xi32, #tpu.memory_space<hbm>>) dst(%arg10 : memref<128xi32, #tpu.memory_space<vmem>>)
        tpu.yield
      }) : () -> ()
      %dma_start3A_78 = arith.constant 0 : i32
      %dma_start3A_79 = arith.constant 0 : i32
      %dma_start3A_80 = tpu.memref_slice %arg4[%dma_start3A_78, %dma_start3A_79] : memref<10000x128xf32, #tpu.memory_space<hbm>> -> memref<10000x128xf32, #tpu.memory_space<hbm>>
      tpu.enqueue_indirect_dma source(%dma_start3A_80 : memref<10000x128xf32, #tpu.memory_space<hbm>>) target(%arg13 : memref<128x128xf32, #tpu.memory_space<vmem>>) offsets(%arg7 : memref<128xi32, #tpu.memory_space<vmem>>) semaphore(%arg17 : memref<!tpu.dma_semaphore, #tpu.memory_space<semaphore_mem>>)
      %dma_wait3A_81 = arith.constant 0 : i32
      %dma_wait3A_82 = arith.constant 0 : i32
      %dma_wait3A_83 = tpu.memref_slice %arg4[%dma_wait3A_81, %dma_wait3A_82] : memref<10000x128xf32, #tpu.memory_space<hbm>> -> memref<10000x128xf32, #tpu.memory_space<hbm>>
      tpu.wait_indirect_dma semaphore(%arg17 : memref<!tpu.dma_semaphore, #tpu.memory_space<semaphore_mem>>) src(%dma_wait3A_83 : memref<10000x128xf32, #tpu.memory_space<hbm>>) dst(%arg13 : memref<128x128xf32, #tpu.memory_space<vmem>>)
      "tpu.region"() ({
        %run_scoped3A = tpu.sem_alloc : memref<!tpu.dma_semaphore, #tpu.memory_space<semaphore_mem>>
        %dma_start3A_84 = arith.constant 0 : i32
        %dma_start3A_85 = arith.constant 0 : i32
        %dma_start3A_86 = tpu.memref_slice %arg16[%dma_start3A_84, %dma_start3A_85] : memref<10112x128xf32, #tpu.memory_space<vmem_shared>> -> memref<10112x128xf32, #tpu.memory_space<vmem_shared>>
        tpu.enqueue_indirect_dma source(%arg13 : memref<128x128xf32, #tpu.memory_space<vmem>>) target(%dma_start3A_86 : memref<10112x128xf32, #tpu.memory_space<vmem_shared>>) offsets(%arg10 : memref<128xi32, #tpu.memory_space<vmem>>) semaphore(%run_scoped3A : memref<!tpu.dma_semaphore, #tpu.memory_space<semaphore_mem>>) {add = true}
        %dma_wait3A_87 = arith.constant 0 : i32
        %dma_wait3A_88 = arith.constant 0 : i32
        %dma_wait3A_89 = tpu.memref_slice %arg16[%dma_wait3A_87, %dma_wait3A_88] : memref<10112x128xf32, #tpu.memory_space<vmem_shared>> -> memref<10112x128xf32, #tpu.memory_space<vmem_shared>>
        tpu.wait_indirect_dma semaphore(%run_scoped3A : memref<!tpu.dma_semaphore, #tpu.memory_space<semaphore_mem>>) src(%arg13 : memref<128x128xf32, #tpu.memory_space<vmem>>) dst(%dma_wait3A_89 : memref<10112x128xf32, #tpu.memory_space<vmem_shared>>)
        tpu.yield
      }) : () -> ()
    } else {
    }
    %barrier3A_69 = arith.constant 0 : index
    tpu.barrier barrier_id(%barrier3A_69)
    %mul3A_70 = arith.constant 632 : i32
    %mul3A_71 = arith.muli %arg1, %mul3A_70 : i32
    %mul3A_72 = arith.constant 632 : i32
    %mul3A_73 = arith.muli %arg1, %mul3A_72 : i32
    "tpu.region"() ({
      %run_scoped3A = tpu.sem_alloc : memref<!tpu.dma_semaphore, #tpu.memory_space<semaphore_mem>>
      %dma_start3A_74 = arith.constant 0 : i32
      %dma_start3A_75 = tpu.memref_slice %arg6[%arg0, %mul3A_73, %dma_start3A_74] : memref<2x10112x128xf32, #tpu.memory_space<hbm>> -> memref<1x632x128xf32, #tpu.memory_space<hbm>>
      %dma_start3A_76 = tpu.memref_squeeze %dma_start3A_75 : memref<1x632x128xf32, #tpu.memory_space<hbm>> -> memref<632x128xf32, #tpu.memory_space<hbm>>
      %dma_start3A_77 = arith.constant 0 : i32
      %dma_start3A_78 = tpu.memref_slice %arg16[%mul3A_71, %dma_start3A_77] : memref<10112x128xf32, #tpu.memory_space<vmem_shared>> -> memref<632x128xf32, #tpu.memory_space<vmem_shared>>
      tpu.enqueue_dma source(%dma_start3A_78 : memref<632x128xf32, #tpu.memory_space<vmem_shared>>) target(%dma_start3A_76 : memref<632x128xf32, #tpu.memory_space<hbm>>) target_semaphore(%run_scoped3A : memref<!tpu.dma_semaphore, #tpu.memory_space<semaphore_mem>>)
      %dma_wait3A_79 = arith.constant 0 : i32
      %dma_wait3A_80 = tpu.memref_slice %arg6[%arg0, %mul3A_73, %dma_wait3A_79] : memref<2x10112x128xf32, #tpu.memory_space<hbm>> -> memref<1x632x128xf32, #tpu.memory_space<hbm>>
      %dma_wait3A_81 = tpu.memref_squeeze %dma_wait3A_80 : memref<1x632x128xf32, #tpu.memory_space<hbm>> -> memref<632x128xf32, #tpu.memory_space<hbm>>
      %dma_wait3A_82 = arith.constant 0 : i32
      %dma_wait3A_83 = tpu.memref_slice %arg16[%mul3A_71, %dma_wait3A_82] : memref<10112x128xf32, #tpu.memory_space<vmem_shared>> -> memref<632x128xf32, #tpu.memory_space<vmem_shared>>
      tpu.wait_dma2 semaphore(%run_scoped3A : memref<!tpu.dma_semaphore, #tpu.memory_space<semaphore_mem>>) src(%dma_wait3A_83 : memref<632x128xf32, #tpu.memory_space<vmem_shared>>) dst(%dma_wait3A_81 : memref<632x128xf32, #tpu.memory_space<hbm>>)
      tpu.yield
    }) : () -> ()
    return
  }
}

module attributes {stable_mosaic.version = 14 : i64} {
  func.func @_dense_body(%arg0: i32, %arg1: memref<1000x128xf32, #tpu.memory_space<vmem>>, %arg2: memref<128x128xf32, #tpu.memory_space<vmem>>, %arg3: memref<8x128xf32, #tpu.memory_space<vmem>>, %arg4: memref<1000x128xf32, #tpu.memory_space<vmem>>, %arg5: memref<1000x128xf32, #tpu.memory_space<vmem>>, %arg6: memref<1000x128xf32, #tpu.memory_space<vmem>>) attributes {dimension_semantics = [#tpu.dimension_semantics<arbitrary>], iteration_bounds = array<i64: 10>, scalar_prefetch = 0 : i64, scratch_operands = 0 : i64, tpu.core_type = #tpu.core_type<tc>, window_params = [{transform_indices = @transform_0, window_bounds = array<i64: 1000, 128>}, {pipeline_mode = #tpu.pipeline_mode<synchronous>, transform_indices = @transform_1, window_bounds = array<i64: 128, 128>}, {pipeline_mode = #tpu.pipeline_mode<synchronous>, transform_indices = @transform_2, window_bounds = array<i64: 8, 128>}, {transform_indices = @transform_3, window_bounds = array<i64: 1000, 128>}, {transform_indices = @transform_4, window_bounds = array<i64: 1000, 128>}, {transform_indices = @transform_5, window_bounds = array<i64: 1000, 128>}]} {
    %get3A = arith.constant 0 : index
    %get3A_0 = arith.constant 0 : index
    %get3A_1 = vector.load %arg1[%get3A, %get3A_0] : memref<1000x128xf32, #tpu.memory_space<vmem>>, vector<1000x128xf32>
    %get3A_2 = arith.constant 0 : index
    %get3A_3 = arith.constant 0 : index
    %get3A_4 = vector.load %arg2[%get3A_2, %get3A_3] : memref<128x128xf32, #tpu.memory_space<vmem>>, vector<128x128xf32>
    %dot_general3A = arith.constant dense<0.000000e+00> : vector<1000x128xf32>
    %dot_general3A_5 = tpu.matmul %get3A_1, %get3A_4, %dot_general3A {dimension_numbers = #tpu.dot_dimension_numbers<[1], [0], [0], [1], [0, 0, 1, 1], [], []>, transpose_lhs_hint = false} : vector<1000x128xf32>, vector<128x128xf32>, vector<1000x128xf32> -> vector<1000x128xf32>
    %get3A_6 = arith.constant 0 : index
    %get3A_7 = arith.constant 0 : index
    %get3A_8 = vector.load %arg3[%get3A_6, %get3A_7] : memref<8x128xf32, #tpu.memory_space<vmem>>, vector<1x128xf32>
    %add3A = vector.broadcast %get3A_8 : vector<1x128xf32> to vector<1000x128xf32>
    %add3A_9 = arith.addf %dot_general3A_5, %add3A : vector<1000x128xf32>
    %swap3A = arith.constant 0 : index
    %swap3A_10 = arith.constant 0 : index
    %swap3A_11 = vector.load %arg5[%swap3A, %swap3A_10] : memref<1000x128xf32, #tpu.memory_space<vmem>>, vector<1000x128xf32>
    tpu.vector_store %arg5[%swap3A, %swap3A_10], %add3A_9 {strides = array<i32>} : memref<1000x128xf32, #tpu.memory_space<vmem>>, vector<1000x128xf32>,
    %get3A_12 = arith.constant 0 : index
    %get3A_13 = arith.constant 0 : index
    %get3A_14 = vector.load %arg4[%get3A_12, %get3A_13] : memref<1000x128xf32, #tpu.memory_space<vmem>>, vector<1000x128xf32>
    %mul3A = arith.mulf %add3A_9, %get3A_14 : vector<1000x128xf32>
    %swap3A_15 = arith.constant 0 : index
    %swap3A_16 = arith.constant 0 : index
    %swap3A_17 = vector.load %arg6[%swap3A_15, %swap3A_16] : memref<1000x128xf32, #tpu.memory_space<vmem>>, vector<1000x128xf32>
    tpu.vector_store %arg6[%swap3A_15, %swap3A_16], %mul3A {strides = array<i32>} : memref<1000x128xf32, #tpu.memory_space<vmem>>, vector<1000x128xf32>,
    return
  }
  func.func @transform_0(%arg0: i32) -> (i32, i32) {
    %c0_i32 = arith.constant 0 : i32
    %c0_i32_0 = arith.constant 0 : i32
    return %arg0, %c0_i32 : i32, i32
  }
  func.func @transform_1(%arg0: i32) -> (i32, i32) {
    %c0_i32 = arith.constant 0 : i32
    %c0_i32_0 = arith.constant 0 : i32
    %c0_i32_1 = arith.constant 0 : i32
    return %c0_i32, %c0_i32_0 : i32, i32
  }
  func.func @transform_2(%arg0: i32) -> (i32, i32) {
    %c0_i32 = arith.constant 0 : i32
    %c0_i32_0 = arith.constant 0 : i32
    %c0_i32_1 = arith.constant 0 : i32
    return %c0_i32, %c0_i32_0 : i32, i32
  }
  func.func @transform_3(%arg0: i32) -> (i32, i32) {
    %c0_i32 = arith.constant 0 : i32
    %c0_i32_0 = arith.constant 0 : i32
    return %arg0, %c0_i32 : i32, i32
  }
  func.func @transform_4(%arg0: i32) -> (i32, i32) {
    %c0_i32 = arith.constant 0 : i32
    %c0_i32_0 = arith.constant 0 : i32
    return %arg0, %c0_i32 : i32, i32
  }
  func.func @transform_5(%arg0: i32) -> (i32, i32) {
    %c0_i32 = arith.constant 0 : i32
    %c0_i32_0 = arith.constant 0 : i32
    return %arg0, %c0_i32 : i32, i32
  }
}

module attributes {stable_mosaic.version = 14 : i64} {
  func.func @_combine_body(%arg0: i32, %arg1: memref<2x1000x128xf32, #tpu.memory_space<vmem>>, %arg2: memref<1000x128xf32, #tpu.memory_space<vmem>>, %arg3: memref<1000x128xf32, #tpu.memory_space<vmem>>, %arg4: memref<1000x128xf32, #tpu.memory_space<vmem>>, %arg5: memref<1000x128xf32, #tpu.memory_space<vmem>>) attributes {dimension_semantics = [#tpu.dimension_semantics<arbitrary>], iteration_bounds = array<i64: 10>, scalar_prefetch = 0 : i64, scratch_operands = 0 : i64, tpu.core_type = #tpu.core_type<tc>, window_params = [{transform_indices = @transform_0, window_bounds = array<i64: 2, 1000, 128>}, {transform_indices = @transform_1, window_bounds = array<i64: 1000, 128>}, {transform_indices = @transform_2, window_bounds = array<i64: 1000, 128>}, {transform_indices = @transform_3, window_bounds = array<i64: 1000, 128>}, {transform_indices = @transform_4, window_bounds = array<i64: 1000, 128>}]} {
    %get3A = arith.constant 0 : index
    %get3A_0 = arith.constant 0 : index
    %get3A_1 = arith.constant 0 : index
    %get3A_2 = vector.load %arg1[%get3A, %get3A_0, %get3A_1] : memref<2x1000x128xf32, #tpu.memory_space<vmem>>, vector<1x1000x128xf32>
    %get3A_3 = vector.shape_cast %get3A_2 : vector<1x1000x128xf32> to vector<1000x128xf32>
    %get3A_4 = arith.constant 1 : index
    %get3A_5 = arith.constant 0 : index
    %get3A_6 = arith.constant 0 : index
    %get3A_7 = vector.load %arg1[%get3A_4, %get3A_5, %get3A_6] : memref<2x1000x128xf32, #tpu.memory_space<vmem>>, vector<1x1000x128xf32>
    %get3A_8 = vector.shape_cast %get3A_7 : vector<1x1000x128xf32> to vector<1000x128xf32>
    %add3A = arith.addf %get3A_3, %get3A_8 : vector<1000x128xf32>
    %get3A_9 = arith.constant 0 : index
    %get3A_10 = arith.constant 0 : index
    %get3A_11 = vector.load %arg3[%get3A_9, %get3A_10] : memref<1000x128xf32, #tpu.memory_space<vmem>>, vector<1000x128xf32>
    %mul3A = arith.mulf %add3A, %get3A_11 : vector<1000x128xf32>
    %get3A_12 = arith.constant 0 : index
    %get3A_13 = arith.constant 0 : index
    %get3A_14 = vector.load %arg2[%get3A_12, %get3A_13] : memref<1000x128xf32, #tpu.memory_space<vmem>>, vector<1000x128xf32>
    %get3A_15 = arith.constant 0 : index
    %get3A_16 = arith.constant 0 : index
    %get3A_17 = vector.load %arg4[%get3A_15, %get3A_16] : memref<1000x128xf32, #tpu.memory_space<vmem>>, vector<1000x128xf32>
    %mul3A_18 = arith.mulf %get3A_14, %get3A_17 : vector<1000x128xf32>
    %add3A_19 = arith.addf %mul3A, %mul3A_18 : vector<1000x128xf32>
    %swap3A = arith.constant 0 : index
    %swap3A_20 = arith.constant 0 : index
    %swap3A_21 = vector.load %arg5[%swap3A, %swap3A_20] : memref<1000x128xf32, #tpu.memory_space<vmem>>, vector<1000x128xf32>
    tpu.vector_store %arg5[%swap3A, %swap3A_20], %add3A_19 {strides = array<i32>} : memref<1000x128xf32, #tpu.memory_space<vmem>>, vector<1000x128xf32>,
    return
  }
  func.func @transform_0(%arg0: i32) -> (i32, i32, i32) {
    %c0_i32 = arith.constant 0 : i32
    %c0_i32_0 = arith.constant 0 : i32
    %c0_i32_1 = arith.constant 0 : i32
    return %c0_i32, %arg0, %c0_i32_0 : i32, i32, i32
  }
  func.func @transform_1(%arg0: i32) -> (i32, i32) {
    %c0_i32 = arith.constant 0 : i32
    %c0_i32_0 = arith.constant 0 : i32
    return %arg0, %c0_i32 : i32, i32
  }
  func.func @transform_2(%arg0: i32) -> (i32, i32) {
    %c0_i32 = arith.constant 0 : i32
    %c0_i32_0 = arith.constant 0 : i32
    return %arg0, %c0_i32 : i32, i32
  }
  func.func @transform_3(%arg0: i32) -> (i32, i32) {
    %c0_i32 = arith.constant 0 : i32
    %c0_i32_0 = arith.constant 0 : i32
    return %arg0, %c0_i32 : i32, i32
  }
  func.func @transform_4(%arg0: i32) -> (i32, i32) {
    %c0_i32 = arith.constant 0 : i32
    %c0_i32_0 = arith.constant 0 : i32
    return %arg0, %c0_i32 : i32, i32
  }
}

module attributes {stable_mosaic.version = 14 : i64} {
  func.func @_combine_body(%arg0: i32, %arg1: memref<2x1000x128xf32, #tpu.memory_space<vmem>>, %arg2: memref<1000x128xf32, #tpu.memory_space<vmem>>, %arg3: memref<1000x128xf32, #tpu.memory_space<vmem>>, %arg4: memref<1000x128xf32, #tpu.memory_space<vmem>>, %arg5: memref<1000x128xf32, #tpu.memory_space<vmem>>) attributes {dimension_semantics = [#tpu.dimension_semantics<arbitrary>], iteration_bounds = array<i64: 10>, scalar_prefetch = 0 : i64, scratch_operands = 0 : i64, tpu.core_type = #tpu.core_type<tc>, window_params = [{transform_indices = @transform_0, window_bounds = array<i64: 2, 1000, 128>}, {transform_indices = @transform_1, window_bounds = array<i64: 1000, 128>}, {transform_indices = @transform_2, window_bounds = array<i64: 1000, 128>}, {transform_indices = @transform_3, window_bounds = array<i64: 1000, 128>}, {transform_indices = @transform_4, window_bounds = array<i64: 1000, 128>}]} {
    %get3A = arith.constant 0 : index
    %get3A_0 = arith.constant 0 : index
    %get3A_1 = arith.constant 0 : index
    %get3A_2 = vector.load %arg1[%get3A, %get3A_0, %get3A_1] : memref<2x1000x128xf32, #tpu.memory_space<vmem>>, vector<1x1000x128xf32>
    %get3A_3 = vector.shape_cast %get3A_2 : vector<1x1000x128xf32> to vector<1000x128xf32>
    %get3A_4 = arith.constant 1 : index
    %get3A_5 = arith.constant 0 : index
    %get3A_6 = arith.constant 0 : index
    %get3A_7 = vector.load %arg1[%get3A_4, %get3A_5, %get3A_6] : memref<2x1000x128xf32, #tpu.memory_space<vmem>>, vector<1x1000x128xf32>
    %get3A_8 = vector.shape_cast %get3A_7 : vector<1x1000x128xf32> to vector<1000x128xf32>
    %add3A = arith.addf %get3A_3, %get3A_8 : vector<1000x128xf32>
    %get3A_9 = arith.constant 0 : index
    %get3A_10 = arith.constant 0 : index
    %get3A_11 = vector.load %arg3[%get3A_9, %get3A_10] : memref<1000x128xf32, #tpu.memory_space<vmem>>, vector<1000x128xf32>
    %mul3A = arith.mulf %add3A, %get3A_11 : vector<1000x128xf32>
    %get3A_12 = arith.constant 0 : index
    %get3A_13 = arith.constant 0 : index
    %get3A_14 = vector.load %arg2[%get3A_12, %get3A_13] : memref<1000x128xf32, #tpu.memory_space<vmem>>, vector<1000x128xf32>
    %get3A_15 = arith.constant 0 : index
    %get3A_16 = arith.constant 0 : index
    %get3A_17 = vector.load %arg4[%get3A_15, %get3A_16] : memref<1000x128xf32, #tpu.memory_space<vmem>>, vector<1000x128xf32>
    %mul3A_18 = arith.mulf %get3A_14, %get3A_17 : vector<1000x128xf32>
    %add3A_19 = arith.addf %mul3A, %mul3A_18 : vector<1000x128xf32>
    %swap3A = arith.constant 0 : index
    %swap3A_20 = arith.constant 0 : index
    %swap3A_21 = vector.load %arg5[%swap3A, %swap3A_20] : memref<1000x128xf32, #tpu.memory_space<vmem>>, vector<1000x128xf32>
    tpu.vector_store %arg5[%swap3A, %swap3A_20], %add3A_19 {strides = array<i32>} : memref<1000x128xf32, #tpu.memory_space<vmem>>, vector<1000x128xf32>,
    return
  }
  func.func @transform_0(%arg0: i32) -> (i32, i32, i32) {
    %c0_i32 = arith.constant 0 : i32
    %c0_i32_0 = arith.constant 0 : i32
    %c0_i32_1 = arith.constant 0 : i32
    return %c0_i32, %arg0, %c0_i32_0 : i32, i32, i32
  }
  func.func @transform_1(%arg0: i32) -> (i32, i32) {
    %c0_i32 = arith.constant 0 : i32
    %c0_i32_0 = arith.constant 0 : i32
    return %arg0, %c0_i32 : i32, i32
  }
  func.func @transform_2(%arg0: i32) -> (i32, i32) {
    %c0_i32 = arith.constant 0 : i32
    %c0_i32_0 = arith.constant 0 : i32
    return %arg0, %c0_i32 : i32, i32
  }
  func.func @transform_3(%arg0: i32) -> (i32, i32) {
    %c0_i32 = arith.constant 0 : i32
    %c0_i32_0 = arith.constant 0 : i32
    return %arg0, %c0_i32 : i32, i32
  }
  func.func @transform_4(%arg0: i32) -> (i32, i32) {
    %c0_i32 = arith.constant 0 : i32
    %c0_i32_0 = arith.constant 0 : i32
    return %arg0, %c0_i32 : i32, i32
  }
}

</mosaic_0001>

<sc_bundles>
// kernel: kernel.11.cloned.1.call-start
scs
__scs_entry_jumppad:
0x0: {  	(pc) =	sbr.rel $0x88, $3  }
0x1: {  	(tag) =	ssettag $0x0;
	lr =	simm.s32 $0x1  }
0x2: {  	[smem:$0x3F9D] =	sst lr;
	_ =	strace $0xD0000000  }
0x3: {  	_ = 	snop  }
0x4: {  	_ = 	snop  }
0x5: {  	_ = 	snop  }
0x6: {  	_ = 	snop  }
0x7: {  	_ = 	snop  }
__scs_overlays_trampoline_lowered:
0x8: {  	[smem:$0x3FAC] =	sst s0  }
0x9: {  	[smem:$0x3FAD] =	sst s1  }
0xa: {  	[smem:$0x3FAE] =	sst s2  }
0xb: {  	[smem:$0x3FAF] =	sst s3  }
0xc: {  	[smem:$0x3FB0] =	sst s4  }
0xd: {  	[smem:$0x3FB1] =	sst s5  }
0xe: {  	[smem:$0x3FB2] =	sst s6  }
0xf: {  	[smem:$0x3FB3] =	sst s7  }
0x10: {  	[smem:$0x3FB4] =	sst s8  }
0x11: {  	[smem:$0x3FB5] =	sst s9;
	s0 =	simm.s32 @!p0 $0x0  }
0x12: {  	s1 =	sld [smem:$0x3F9B];
	s0 =	simm.s32 @p0 $0x1  }
0x13: {  	[smem:$0x3FB6] =	sst s0;
	s0 =	simm.s32 @!p1 $0x0  }
0x14: {  	s2 =	sld [smem:$0x3F9A];
	s0 =	simm.s32 @p1 $0x1  }
0x15: {  	[smem:$0x3FB7] =	sst s0;
	s0 =	simm.s32 @!p2 $0x0  }
0x16: {  	s3 =	sld [smem:$0x3FDB];
	s0 =	simm.s32 @p2 $0x1  }
0x17: {  	s4 =	simm.s32 $0x1BF5;
	[smem:$0x3FB9] =	sst s0  }
0x18: {  	s0 =	sld [smem:$0x3F9C];
	_ =	swait.ge [sflag:s4], $0x0  }
0x19: {  	s7 =	sld [smem:$0x3F9D]  }
0x1a: {  	s8 =	sadd.s32 $0xFFFFE003, lr  }
0x1b: {  	s9 =	sadd.s32 $0xFFFFFEF7, lr;
	s5 =	simm.s32 $0xFFFFFFFF;
	p2 =	slt.u32 s8, $0xFFFFF086  }
0x1c: {  	p1 =	slt.u32 s9, $0xF7A;
	s5 =	simm.s32 @!p2 $0x0  }
0x1d: {  	s5 =	simm.s32 @p1 $0x1;
	p0 =	seq.s32 s7, s2  }
0x1e: {  	s7 =	smul.u32 @!p0 $0xF7A, s2;
	p2 =	seq.s32 @!p0 s5, $0x0  }
0x1f: {  	s9 =	smul.u32 $0xF7A, s1;
	s8 =	simm.s32 @!p0 $0x1BF5;
	p2 =	por !p2, p0  }
0x20: {  	[sflag:s8] =	ssyncset.s32 @!p0 $0xFFFFF086;
	s6 =	sadd.s32 @!p0 s3, s7;
	s7 =	simm.s32 @!p0 $0x108  }
0x21: {  	s3 =	sadd.s32 s3, s9;
	s6 =	sadd.s32 @!p0 $0x88, s6;
	s7 =	simm.s32 @p2 $0x1082  }
0x22: {  	[simem:s7], [sflag:s8] =	dma.local @!p0 [hbm:s6], $0xF7A  }
0x23: {  	s9 =	sor.u32 $0xD0000000, s2;
	s6 =	simm.s32 $0x108;
	_ =	swait.ge @!p0 [sflag:s8], $0x0  }
0x24: {  	s3 =	sadd.s32 $0x88, s3;
	s6 =	simm.s32 @!p1 $0x1082;
	[sflag:s4] =	ssyncset.s32 $0xFFFFF086  }
0x25: {  	[simem:s6], [sflag:s4] =	dma.local [hbm:s3], $0xF7A  }
0x26: {  	[smem:$0x3F9D] =	sst s1;
	(tag) =	ssettag s2;
	_ =	strace s9  }
0x27: {  	s1 =	sld [smem:$0x3FAD]  }
0x28: {  	s2 =	sld [smem:$0x3FAE]  }
0x29: {  	s4 =	sld [smem:$0x3FB0]  }
0x2a: {  	p0 =	seq.s32 s5, $0x0;
	s5 =	sld [smem:$0x3FB1]  }
0x2b: {  	s6 =	sld [smem:$0x3FB2]  }
0x2c: {  	s7 =	sld [smem:$0x3FB3]  }
0x2d: {  	s3 =	simm.s32 $0x108;
	s8 =	sld [smem:$0x3FB4]  }
0x2e: {  	s3 =	simm.s32 @!p0 $0x1082;
	s9 =	sld [smem:$0x3FB5]  }
0x2f: {  	lr =	sadd.s32 s0, s3;
	s0 =	sld [smem:$0x3FAC]  }
0x30: {  	s3 =	sld [smem:$0x3FAF]  }
0x31: {  	[smem:$0x3FB8] =	sst s10  }
0x32: {  	s10 =	sld [smem:$0x3FB6];
	_ =	sdelay $0x3  }
0x33: {  	p0 =	seq.s32 s10, $0x1;
	s10 =	sld [smem:$0x3FB8];
	_ =	sdelay $0x3  }
0x34: {  	[smem:$0x3FB8] =	sst s10  }
0x35: {  	s10 =	sld [smem:$0x3FB7];
	_ =	sdelay $0x3  }
0x36: {  	p1 =	seq.s32 s10, $0x1;
	s10 =	sld [smem:$0x3FB8];
	_ =	sdelay $0x3  }
0x37: {  	[smem:$0x3FB8] =	sst s10  }
0x38: {  	s10 =	sld [smem:$0x3FB9]  }
0x39: {  	_ = 	snop;
	(pc) =	sbr.ind lr, $3  }
0x3a: {  	_ = 	snop  }
0x3b: {  	_ = 	snop  }
0x3c: {  	p2 =	seq.s32 s10, $0x1;
	s10 =	sld [smem:$0x3FB8]  }
0x3d: {  	_ =	shalt  }
0x3e: {  	_ =	shalt  }
0x3f: {  	_ =	shalt  }
0x40: {  	_ =	shalt  }
0x41: {  	_ =	shalt  }
0x42: {  	_ =	shalt  }
0x43: {  	_ =	shalt  }
0x44: {  	_ =	shalt  }
0x45: {  	_ =	shalt  }
0x46: {  	_ =	shalt  }
0x47: {  	_ =	shalt  }
0x48: {  	_ =	shalt  }
0x49: {  	_ =	shalt  }
0x4a: {  	_ =	shalt  }
0x4b: {  	_ =	shalt  }
0x4c: {  	_ =	shalt  }
0x4d: {  	_ =	shalt  }
0x4e: {  	_ =	shalt  }
0x4f: {  	_ =	shalt  }
0x50: {  	_ =	shalt  }
0x51: {  	_ =	shalt  }
0x52: {  	_ =	shalt  }
0x53: {  	_ =	shalt  }
0x54: {  	_ =	shalt  }
0x55: {  	_ =	shalt  }
0x56: {  	_ =	shalt  }
0x57: {  	_ =	shalt  }
0x58: {  	_ =	shalt  }
0x59: {  	_ =	shalt  }
0x5a: {  	_ =	shalt  }
0x5b: {  	_ =	shalt  }
0x5c: {  	_ =	shalt  }
0x5d: {  	_ =	shalt  }
0x5e: {  	_ =	shalt  }
0x5f: {  	_ =	shalt  }
0x60: {  	_ =	shalt  }
0x61: {  	_ =	shalt  }
0x62: {  	_ =	shalt  }
0x63: {  	_ =	shalt  }
0x64: {  	_ =	shalt  }
0x65: {  	_ =	shalt  }
0x66: {  	_ =	shalt  }
0x67: {  	_ =	shalt  }
0x68: {  	_ =	shalt  }
0x69: {  	_ =	shalt  }
0x6a: {  	_ =	shalt  }
0x6b: {  	_ =	shalt  }
0x6c: {  	_ =	shalt  }
0x6d: {  	_ =	shalt  }
0x6e: {  	_ =	shalt  }
0x6f: {  	_ =	shalt  }
0x70: {  	_ =	shalt  }
0x71: {  	_ =	shalt  }
0x72: {  	_ =	shalt  }
0x73: {  	_ =	shalt  }
0x74: {  	_ =	shalt  }
0x75: {  	_ =	shalt  }
0x76: {  	_ =	shalt  }
0x77: {  	_ =	shalt  }
0x78: {  	_ =	shalt  }
0x79: {  	_ =	shalt  }
0x7a: {  	_ =	shalt  }
0x7b: {  	_ =	shalt  }
0x7c: {  	_ =	shalt  }
0x7d: {  	_ =	shalt  }
0x7e: {  	_ =	shalt  }
0x7f: {  	_ =	shalt  }
0x80: {  	_ =	shalt  }
0x81: {  	_ =	shalt  }
0x82: {  	_ =	shalt  }
0x83: {  	_ =	shalt  }
0x84: {  	_ =	shalt  }
0x85: {  	_ =	shalt  }
0x86: {  	_ =	shalt  }
0x87: {  	_ =	shalt  }
.Lfunc_end0:
.L_simem_size_0:
called_computation.1_lowered:
.L_overlay_start_0:
0x88: {  	s2 =	sld [smem:$0x3FD9]  }
0x89: {  	s3 =	sld [smem:$0x3FFE];
	_ =	sdelay $0x1  }
0x8a: {  	s1 =	srdreg.scid  }
0x8b: {  	s0 =	sand.u32 $0x1, s1  }
0x8c: {  	s17 =	sshll.u32 s0, $0xA;
	s2 =	sadd.s32 s3, s2  }
0x8d: {  	s2 =	sadd.s32 s2, s17  }
0x8e: {  	[smem:$0x3FC4] =	sst s2  }
0x8f: {  	_ = 	snop  }
0x90: {  	s2 =	sld [smem:$0x3FD0];
	(tm) =	ssettm $0x1  }
0x91: {  	s18 =	sld [smem:$0x3FFB];
	_ =	sdelay $0x3  }
0x92: {  	_ =	strace s18  }
0x93: {  	s3 =	sld [smem:$0x3FFC];
	_ =	sdelay $0x3  }
0x94: {  	_ =	strace s3  }
0x95: {  	s3 =	sld [smem:$0x3FFD];
	_ =	sdelay $0x3  }
0x96: {  	_ =	strace s3  }
0x97: {  	_ =	strace $0x8FFFFFFF  }
0x98: {  	s19 =	sld [smem:$0x3FDB];
	_ =	sdelay $0x1  }
0x99: {  	s4 =	simm.s32 $_scs_section_size  }
0x9a: {  	s5 =	simm.s32 $_size__tile_overlayer_lowered;
	s6 =	simm.s32 $_tile_overlayer_lowered  }
0x9b: {  	s22 =	simm.s32 $0x1BFF;
	s21 =	sshll.u32 s6, $0x1;
	s3 =	sadd.s32 s4, s19  }
0x9c: {  	s7 =	simm.s32 $0x0;
	s20 =	sshll.u32 s5, $0x1;
	s5 =	sadd.s32 s21, s3  }
0x9d: {  	[timem:s7], [sflag:s22] =	dma.local [hbm:s5], s20  }
0x9e: {  	_ =	swait.ge [sflag:s22], s20  }
0x9f: {  	s4 =	ssub.s32 $0x0, s20;
	[sflag:s22] =	ssyncset.done $0x0  }
0xa0: {  	[sflag:s22] =	ssyncadd.s32 s4;
	_ =	sdelay $0x1  }
0xa1: {  	s23 =	simm.s32 $0x1B8B  }
0xa2: {  	_ =	swait.ge [sflag:s23], $0x1  }
0xa3: {  	[sflag:s23] =	ssyncset.done $0x0  }
0xa4: {  	s25 =	simm.s32 $0x1B8E;
	s24 =	sld [smem:$0x3FFE];
	[sflag:s23] =	ssyncadd.s32 $0xFFFFFFFF  }
0xa5: {  	s26 =	simm.s32 $execute0_lowered;
	[smem:$0x3FD2] =	sst s25  }
0xa6: {  	s5 =	sshll.u32 s26, $0x1;
	_ =	strace $0x80000049;
	[dreg:$0x1] =	wrdreg $0xFFFFFFFF  }
0xa7: {  	s28 =	simm.s32 $_size_execute0_lowered;
	s3 =	sadd.s32 s3, s5;
	[dreg:$0x0] =	wrdreg $0x0  }
0xa8: {  	s5 =	sshll.u32 s28, $0x1;
	[dreg:$0x2] =	wrdreg s3  }
0xa9: {  	[dreg:$0x3] =	wrdreg s5  }
0xaa: {  	[dreg:$0x4] =	wrdreg $0xC0  }
0xab: {  	_ =	task [dreg:s7], $0x5FFFF  }
0xac: {  	[dreg:$0x1] =	wrdreg $0xFFFFFFFF  }
0xad: {  	[dreg:$0x0] =	wrdreg $0x60  }
0xae: {  	[dreg:$0x2] =	wrdreg s24  }
0xaf: {  	[dreg:$0x3] =	wrdreg s2  }
0xb0: {  	[dreg:$0x4] =	wrdreg $0xC3000  }
0xb1: {  	[dreg:$0x5] =	wrdreg $0x9  }
0xb2: {  	_ =	task.clear_ibuf [dreg:s7], $0x6FFFF;
	_ =	strace $0x90000049  }
0xb3: {  	s29 =	simm.s32 $0x9;
	_ =	strace $0x8000004B  }
0xb4: {  	_ =	swait.ge [sflag:s29], $0x1  }
0xb5: {  	[sflag:s29] =	ssyncadd.s32 $0xFFFFFFFF  }
0xb6: {  	_ =	strace $0x9000004B  }
0xb7: {  	_ =	sfence  }
0xb8: {  	s30 =	sld [smem:$0x0];
	_ =	sdelay $0x2  }
0xb9: {  	s31 =	sshll.u32 s1, $0xD;
	s1 =	sshrl.u32 s1, $0x2  }
0xba: {  	s3 =	sand.u32 $0x4000, s31;
	s1 =	sadd.s32 s1, s30  }
0xbb: {  	s0 =	sor.u32 s3, s0;
	s1 =	sshll.u32 s1, $0x11  }
0xbc: {  	s0 =	sor.u32 s1, s0  }
0xbd: {  	s0 =	sadd.s32 $0x8F2B, s0  }
0xbe: {  	[sflag:s0] =	ssyncadd.remote.s32 $0x1  }
0xbf: {  	_ =	sfence.sel $0xFFFF  }
0xc0: {  	[dreg:$0x0] =	wrdreg $0xFFFFFFFF;
	(pc) =	sbr.abs _section_cstart, $3  }
0xc1: {  	[dreg:$0x1] =	wrdreg $0xFFFFFFFF  }
0xc2: {  	_ =	task.clear_ibuf [dreg:s7], $0x2FFFF;
	_ =	strace $0x9FFFFFFF  }
0xc3: {  	(tm) =	ssettm $0x7FFFFFFF  }
tec
execute0_lowered:
.L_overlay_start_1:
0x0: {  	(tag) =	ssettag $0x1  }
0x1: {  	s0 =	rddreg [dreg:$0x0]  }
0x2: {  	s1 =	rddreg [dreg:$0x1]  }
0x3: {  	s3 =	rddreg [dreg:$0x2]  }
0x4: {  	s2 =	srdreg.scid;
	s4 =	simm.s32 $0x0;
	s12 =	stileid.u32  }
0x5: {  	s28 =	simm.s32 $0x100;
	s29 =	simm.s32 $0x280;
	s30 =	simm.s32 $0x8300  }
0x6: {  	s31 =	simm.s32 $0x1;
	s2 =	sand.u32 $0x1, s2;
	s8 =	smul.u32 $0x13C00, s12  }
0x7: {  	[smem:$0x7FF] =	sst s4;
	s5 =	sshll.u32 s12, $0x1;
	s17 =	smul.u32 $0x4E00, s12  }
0x8: {  	s6 =	sadd.s32 $0x1200, s0;
	s11 =	sadd.s32 $0x14E00, s0;
	s19 =	smul.u32 $0x4F000, s12  }
0x9: {  	s7 =	smul.u32 $0x13C000, s2;
	_ =	strace $0x8000004A;
	s9 =	sor.u32 s2, s5  }
0xa: {  	[dreg:$0x7] =	wrdreg s11;
	s11 =	ssub.s32 $0x2, s2;
	s2 =	smul.u32 $0x2700, s2  }
0xb: {  	p0 =	sgt.u32 s12, $0x1;
	s5 =	sadd.s32 $0xB000, s0;
	s10 =	smul.u32 $0x2700, s9  }
0xc: {  	s13 =	sshrl.u32 s11, $0x1;
	s9 =	sshll.u32 s9, $0x4;
	s7 =	sadd.s32 s8, s7  }
0xd: {  	s2 =	sadd.s32 s2, s17;
	s9 =	sor.u32 $0x9C00, s9;
	s7 =	sshrl.u32 s7, $0x3  }
0xe: {  	s10 =	sshrl.u32 s10, $0x3;
	s20 =	sadd.s32 $0x280, s2;
	s21 =	sadd.s32 s5, s9  }
0xf: {  	s9 =	sadd.s32 s6, s9;
	s24 =	sadd.s32 $0x200, s2;
	s0 =	sadd.s32 s7, s0  }
0x10: {  	s7 =	ssub.s32 s11, s13;
	s14 =	sadd.s32 s5, s10;
	[dreg:$0xf] =	wrdreg s21  }
0x11: {  	s15 =	sadd.s32 s6, s10;
	s16 =	sor.u32 $0x10, s10;
	[dreg:$0x10] =	wrdreg s9  }
0x12: {  	s10 =	sadd.s32 $0x20, s10;
	s22 =	sshrl.u32 s20, $0x3;
	[dreg:$0x8] =	wrdreg s14  }
0x13: {  	s25 =	sshrl.u32 s24, $0x3;
	[dreg:$0x9] =	wrdreg s15;
	s13 =	sadd.s32 s5, s16  }
0x14: {  	s20 =	sadd.s32 $0x180, s2;
	s8 =	sadd.s32 s6, s16;
	[dreg:$0xa] =	wrdreg s13  }
0x15: {  	s21 =	simm.s32 $0x7;
	s18 =	sadd.s32 s5, s10;
	[dreg:$0xb] =	wrdreg s8  }
0x16: {  	s24 =	simm.s32 $0x300;
	s10 =	sadd.s32 s6, s10;
	[dreg:$0xc] =	wrdreg s18  }
0x17: {  	s2 =	simm.s32 $0x2;
	s23 =	sadd.s32 s22, s5;
	[dreg:$0xd] =	wrdreg s10  }
0x18: {  	s9 =	simm.s32 $0x6;
	s0 =	sadd.s32 $0x17600, s0;
	[dreg:$0x4] =	wrdreg s23  }
0x19: {  	s26 =	sadd.s32 s25, s5;
	s8 =	sshrl.u32 s19, $0x2;
	[dreg:$0x11] =	wrdreg s0  }
0x1a: {  	s18 =	smax.u32 s7, $0x1;
	[dreg:$0x6] =	wrdreg s26;
	s19 =	sadd.s32 s25, s6  }
0x1b: {  	s23 =	simm.s32 $0x80;
	s25 =	simm.s32 $0x200;
	s26 =	simm.s32 $0x4300  }
0x1c: {  	s0 =	simm.s32 $0x4;
	s7 =	simm.s32 $0x5;
	s8 =	sadd.s32 s8, s3  }
0x1d: {  	s10 =	simm.s32 $0x0;
	[dreg:$0xe] =	wrdreg s8;
	s8 =	sadd.s32 s22, s6  }
0x1e: {  	s22 =	simm.s32 $0x180;
	[dreg:$0x5] =	wrdreg s8;
	s8 =	simm.s32 $0x3  }
.LBB2_1:
0x1f: {  	s11 =	rddreg [dreg:$0x8]  }
0x20: {  	[tilespmem:s4], [sflag:$0x7] =	stream.linear.gather [hbm4b:s11+s4], $0x80, $0x38;
	[tilespmem:$0x1FF00] =	vst v63  }
0x21: {  	_ =	swait.ge [sflag:s21], $0x80  }
0x22: {  	[sflag:s21] =	ssyncset.done $0x0  }
0x23: {  	s15 =	rddreg [dreg:$0x9];
	[sflag:s21] =	ssyncadd.s32 $0xFFFFFF80  }
0x24: {  	[tilespmem:s22], [sflag:$0x4] =	stream.linear.gather [hbm4b:s15+s4], $0x80, $0x38;
	[tilespmem:$0x1FF00] =	vst v63  }
0x25: {  	_ = 	snop  }
0x26: {  	[tilespmem:s24], [sflag:$0x1] =	stream.indirect.gather [hbm4b:s1+s23], $0x80, s4, s23, $0xb8;
	[tilespmem:$0x1FF00] =	vst v63  }
0x27: {  	s16 =	rddreg [dreg:$0xa]  }
0x28: {  	[tilespmem:s23], [sflag:$0x7] =	stream.linear.gather [hbm4b:s16+s4], $0x80, $0x38;
	[tilespmem:$0x1FF00] =	vst v63  }
0x29: {  	_ =	swait.ge [sflag:s21], $0x80  }
0x2a: {  	[sflag:s21] =	ssyncset.done $0x0  }
0x2b: {  	s17 =	rddreg [dreg:$0xb];
	[sflag:s21] =	ssyncadd.s32 $0xFFFFFF80  }
0x2c: {  	[tilespmem:s25], [sflag:$0x5] =	stream.linear.gather [hbm4b:s17+s4], $0x80, $0x38;
	[tilespmem:$0x1FF00] =	vst v63  }
0x2d: {  	_ = 	snop  }
0x2e: {  	[tilespmem:s26], [sflag:$0x2] =	stream.indirect.gather [hbm4b:s1+s23], $0x80, s23, s23, $0xb8;
	[tilespmem:$0x1FF00] =	vst v63  }
0x2f: {  	s12 =	rddreg [dreg:$0xc]  }
0x30: {  	[tilespmem:s28], [sflag:$0x7] =	stream.linear.gather [hbm4b:s12+s4], $0x80, $0x38;
	[tilespmem:$0x1FF00] =	vst v63  }
0x31: {  	_ =	swait.ge [sflag:s21], $0x80  }
0x32: {  	s14 =	stileid.u32;
	[sflag:s21] =	ssyncset.done $0x0;
	s13 =	rddreg [dreg:$0xd]  }
0x33: {  	s11 =	sshll.u32 s14, $0x6;
	s12 =	rddreg [dreg:$0xe];
	[sflag:s21] =	ssyncadd.s32 $0xFFFFFF80  }
0x34: {  	[tilespmem:s29], [sflag:$0x6] =	stream.linear.gather [hbm4b:s13+s4], $0x80, $0x38;
	[tilespmem:$0x1FF00] =	vst v63  }
0x35: {  	s11 =	sor.u32 $0x1C07, s11;
	s12 =	sshrl.u32 s12, $0x3;
	s13 =	rddreg [dreg:$0x7]  }
0x36: {  	[tilespmem:s30], [sflag:$0x3] =	stream.indirect.gather [hbm4b:s1+s23], $0x80, s28, s23, $0xb8;
	[tilespmem:$0x1FF00] =	vst v63  }
0x37: {  	[spmem:s12], [sflag:s11] =	dma.local [hbm:s13], $0x2780  }
0x38: {  	_ =	swait.ge [sflag:s21], $0x2780  }
0x39: {  	[sflag:s21] =	ssyncset.done $0x0  }
0x3a: {  	[sflag:s21] =	ssyncadd.s32 $0xFFFFD880  }
0x3b: {  	[bflag:$0x0] =	sbarrier.arrive $0xFFFF  }
0x3c: {  	_ =	swait.ge [sflag:s31], $0x4000  }
0x3d: {  	[sflag:s31] =	ssyncset.done $0x0  }
0x3e: {  	[sflag:s31] =	ssyncadd.s32 $0xFFFFC000  }
0x3f: {  	_ =	swait.ge [sflag:s0], $0x80  }
0x40: {  	[sflag:s0] =	ssyncset.done $0x0  }
0x41: {  	[sflag:s0] =	ssyncadd.s32 $0xFFFFFF80  }
0x42: {  	[spmem:s3] =	stream.indirect.scatter.add.f32 [tilespmem:s24], [sflag:$0x7], $0x80, s22, s23, $0xb8;
	[tilespmem:$0x1FF00] =	vst v63  }
0x43: {  	_ =	swait.ge [sflag:s21], $0x4000  }
0x44: {  	s15 =	sshrl.u32 s20, $0x3;
	[sflag:s21] =	ssyncset.done $0x0  }
0x45: {  	s14 =	sadd.s32 s6, s15;
	[sflag:s21] =	ssyncadd.s32 $0xFFFFC000  }
0x46: {  	[tilespmem:s22], [sflag:$0x4] =	stream.linear.gather [hbm4b:s14+s4], $0x80, $0x38;
	[tilespmem:$0x1FF00] =	vst v63  }
0x47: {  	s13 =	sadd.s32 s5, s15  }
0x48: {  	[tilespmem:s4], [sflag:$0x7] =	stream.linear.gather [hbm4b:s13+s4], $0x80, $0x38;
	[tilespmem:$0x1FF00] =	vst v63  }
0x49: {  	_ =	swait.ge [sflag:s21], $0x80  }
0x4a: {  	[sflag:s21] =	ssyncset.done $0x0  }
0x4b: {  	[sflag:s21] =	ssyncadd.s32 $0xFFFFFF80  }
0x4c: {  	[tilespmem:s24], [sflag:$0x1] =	stream.indirect.gather [hbm4b:s1+s23], $0x80, s4, s23, $0xb8;
	[tilespmem:$0x1FF00] =	vst v63  }
0x4d: {  	_ =	swait.ge [sflag:s2], $0x4000  }
0x4e: {  	[sflag:s2] =	ssyncset.done $0x0  }
0x4f: {  	[sflag:s2] =	ssyncadd.s32 $0xFFFFC000  }
0x50: {  	_ =	swait.ge [sflag:s7], $0x80  }
0x51: {  	[sflag:s7] =	ssyncset.done $0x0  }
0x52: {  	[sflag:s7] =	ssyncadd.s32 $0xFFFFFF80  }
0x53: {  	[spmem:s3] =	stream.indirect.scatter.add.f32 [tilespmem:s26], [sflag:$0x7], $0x80, s25, s23, $0xb8;
	[tilespmem:$0x1FF00] =	vst v63  }
0x54: {  	_ =	swait.ge [sflag:s21], $0x4000  }
0x55: {  	[sflag:s21] =	ssyncset.done $0x0  }
0x56: {  	s17 =	sadd.s32 $0x0, s19;
	s16 =	rddreg [dreg:$0x6];
	[sflag:s21] =	ssyncadd.s32 $0xFFFFC000  }
0x57: {  	[tilespmem:s25], [sflag:$0x5] =	stream.linear.gather [hbm4b:s17+s4], $0x80, $0x38;
	[tilespmem:$0x1FF00] =	vst v63  }
0x58: {  	s13 =	sadd.s32 $0x0, s16  }
0x59: {  	[tilespmem:s23], [sflag:$0x7] =	stream.linear.gather [hbm4b:s13+s4], $0x80, $0x38;
	[tilespmem:$0x1FF00] =	vst v63  }
0x5a: {  	_ =	swait.ge [sflag:s21], $0x80  }
0x5b: {  	[sflag:s21] =	ssyncset.done $0x0  }
0x5c: {  	[sflag:s21] =	ssyncadd.s32 $0xFFFFFF80  }
0x5d: {  	[tilespmem:s26], [sflag:$0x2] =	stream.indirect.gather [hbm4b:s1+s23], $0x80, s23, s23, $0xb8;
	[tilespmem:$0x1FF00] =	vst v63  }
0x5e: {  	_ =	swait.ge [sflag:s8], $0x4000  }
0x5f: {  	[sflag:s8] =	ssyncset.done $0x0  }
0x60: {  	[sflag:s8] =	ssyncadd.s32 $0xFFFFC000  }
0x61: {  	_ =	swait.ge [sflag:s9], $0x80  }
0x62: {  	[sflag:s9] =	ssyncset.done $0x0  }
0x63: {  	[sflag:s9] =	ssyncadd.s32 $0xFFFFFF80  }
0x64: {  	[spmem:s3] =	stream.indirect.scatter.add.f32 [tilespmem:s30], [sflag:$0x7], $0x80, s29, s23, $0xb8;
	[tilespmem:$0x1FF00] =	vst v63  }
0x65: {  	_ =	swait.ge [sflag:s21], $0x4000  }
0x66: {  	s15 =	rddreg [dreg:$0x5];
	[sflag:s21] =	ssyncset.done $0x0  }
0x67: {  	s16 =	rddreg [dreg:$0x4];
	[sflag:s21] =	ssyncadd.s32 $0xFFFFC000;
	s13 =	sadd.s32 $0x0, s15  }
0x68: {  	[tilespmem:s29], [sflag:$0x6] =	stream.linear.gather [hbm4b:s13+s4], $0x80, $0x38;
	[tilespmem:$0x1FF00] =	vst v63  }
0x69: {  	s17 =	sadd.s32 $0x0, s16  }
0x6a: {  	[tilespmem:s28], [sflag:$0x7] =	stream.linear.gather [hbm4b:s17+s4], $0x80, $0x38;
	[tilespmem:$0x1FF00] =	vst v63  }
0x6b: {  	_ =	swait.ge [sflag:s21], $0x80  }
0x6c: {  	[sflag:s21] =	ssyncset.done $0x0  }
0x6d: {  	s14 =	sadd.s32 $0x180, s20;
	s13 =	simm.s32 $0x30;
	[sflag:s21] =	ssyncadd.s32 $0xFFFFFF80  }
.LBB2_2:
0x6e: {  	[tilespmem:s30], [sflag:$0x3] =	stream.indirect.gather [hbm4b:s1+s23], $0x80, s28, s23, $0xb8;
	[tilespmem:$0x1FF00] =	vst v63  }
0x6f: {  	_ =	swait.ge [sflag:s31], $0x4000  }
0x70: {  	[sflag:s31] =	ssyncset.done $0x0  }
0x71: {  	[sflag:s31] =	ssyncadd.s32 $0xFFFFC000  }
0x72: {  	_ =	swait.ge [sflag:s0], $0x80  }
0x73: {  	[sflag:s0] =	ssyncset.done $0x0  }
0x74: {  	[sflag:s0] =	ssyncadd.s32 $0xFFFFFF80  }
0x75: {  	[spmem:s3] =	stream.indirect.scatter.add.f32 [tilespmem:s24], [sflag:$0x7], $0x80, s22, s23, $0xb8;
	[tilespmem:$0x1FF00] =	vst v63  }
0x76: {  	_ =	swait.ge [sflag:s21], $0x4000  }
0x77: {  	s16 =	sshrl.u32 s14, $0x3;
	[sflag:s21] =	ssyncset.done $0x0  }
0x78: {  	s17 =	sadd.s32 s6, s16;
	[sflag:s21] =	ssyncadd.s32 $0xFFFFC000  }
0x79: {  	[tilespmem:s22], [sflag:$0x4] =	stream.linear.gather [hbm4b:s17+s4], $0x80, $0x38;
	[tilespmem:$0x1FF00] =	vst v63  }
0x7a: {  	s16 =	sadd.s32 s5, s16  }
0x7b: {  	[tilespmem:s4], [sflag:$0x7] =	stream.linear.gather [hbm4b:s16+s4], $0x80, $0x38;
	[tilespmem:$0x1FF00] =	vst v63  }
0x7c: {  	_ =	swait.ge [sflag:s21], $0x80  }
0x7d: {  	[sflag:s21] =	ssyncset.done $0x0  }
0x7e: {  	[sflag:s21] =	ssyncadd.s32 $0xFFFFFF80  }
0x7f: {  	[tilespmem:s24], [sflag:$0x1] =	stream.indirect.gather [hbm4b:s1+s23], $0x80, s4, s23, $0xb8;
	[tilespmem:$0x1FF00] =	vst v63  }
0x80: {  	_ =	swait.ge [sflag:s2], $0x4000  }
0x81: {  	[sflag:s2] =	ssyncset.done $0x0  }
0x82: {  	[sflag:s2] =	ssyncadd.s32 $0xFFFFC000  }
0x83: {  	_ =	swait.ge [sflag:s7], $0x80  }
0x84: {  	[sflag:s7] =	ssyncset.done $0x0  }
0x85: {  	[sflag:s7] =	ssyncadd.s32 $0xFFFFFF80  }
0x86: {  	[spmem:s3] =	stream.indirect.scatter.add.f32 [tilespmem:s26], [sflag:$0x7], $0x80, s25, s23, $0xb8;
	[tilespmem:$0x1FF00] =	vst v63  }
0x87: {  	_ =	swait.ge [sflag:s21], $0x4000  }
0x88: {  	s15 =	smov.u32 s13;
	[sflag:s21] =	ssyncset.done $0x0  }
0x89: {  	s17 =	sadd.s32 s15, s19;
	s16 =	rddreg [dreg:$0x6];
	[sflag:s21] =	ssyncadd.s32 $0xFFFFC000  }
0x8a: {  	[tilespmem:s25], [sflag:$0x5] =	stream.linear.gather [hbm4b:s17+s4], $0x80, $0x38;
	[tilespmem:$0x1FF00] =	vst v63  }
0x8b: {  	s16 =	sadd.s32 s15, s16  }
0x8c: {  	[tilespmem:s23], [sflag:$0x7] =	stream.linear.gather [hbm4b:s16+s4], $0x80, $0x38;
	[tilespmem:$0x1FF00] =	vst v63  }
0x8d: {  	_ =	swait.ge [sflag:s21], $0x80  }
0x8e: {  	[sflag:s21] =	ssyncset.done $0x0  }
0x8f: {  	[sflag:s21] =	ssyncadd.s32 $0xFFFFFF80  }
0x90: {  	[tilespmem:s26], [sflag:$0x2] =	stream.indirect.gather [hbm4b:s1+s23], $0x80, s23, s23, $0xb8;
	[tilespmem:$0x1FF00] =	vst v63  }
0x91: {  	_ =	swait.ge [sflag:s8], $0x4000  }
0x92: {  	[sflag:s8] =	ssyncset.done $0x0  }
0x93: {  	[sflag:s8] =	ssyncadd.s32 $0xFFFFC000  }
0x94: {  	_ =	swait.ge [sflag:s9], $0x80  }
0x95: {  	[sflag:s9] =	ssyncset.done $0x0  }
0x96: {  	[sflag:s9] =	ssyncadd.s32 $0xFFFFFF80  }
0x97: {  	[spmem:s3] =	stream.indirect.scatter.add.f32 [tilespmem:s30], [sflag:$0x7], $0x80, s29, s23, $0xb8;
	[tilespmem:$0x1FF00] =	vst v63  }
0x98: {  	_ =	swait.ge [sflag:s21], $0x4000  }
0x99: {  	p1 =	sne.s32 s13, $0x480;
	s16 =	rddreg [dreg:$0x5];
	[sflag:s21] =	ssyncset.done $0x0  }
0x9a: {  	s17 =	rddreg [dreg:$0x4];
	[sflag:s21] =	ssyncadd.s32 $0xFFFFC000;
	s16 =	sadd.s32 s15, s16  }
0x9b: {  	[tilespmem:s29], [sflag:$0x6] =	stream.linear.gather [hbm4b:s16+s4], $0x80, $0x38;
	[tilespmem:$0x1FF00] =	vst v63  }
.Ltmp0:
0x9c: {  	s15 =	sadd.s32 s15, s17;
	(pc) =	sbr.rel @p1 .LBB2_2-.Ltmp0, $4  }
0x9d: {  	[tilespmem:s28], [sflag:$0x7] =	stream.linear.gather [hbm4b:s15+s4], $0x80, $0x38;
	[tilespmem:$0x1FF00] =	vst v63  }
0x9e: {  	_ =	swait.ge [sflag:s21], $0x80  }
0x9f: {  	[sflag:s21] =	ssyncset.done $0x0  }
0xa0: {  	s13 =	sadd.s32 $0x30, s13;
	s14 =	sadd.s32 $0x180, s14;
	[sflag:s21] =	ssyncadd.s32 $0xFFFFFF80  }
0xa1: {  	[tilespmem:s30], [sflag:$0x3] =	stream.indirect.gather [hbm4b:s1+s23], $0x80, s28, s23, $0xb8;
	[tilespmem:$0x1FF00] =	vst v63  }
0xa2: {  	_ =	swait.ge [sflag:s31], $0x4000  }
0xa3: {  	[sflag:s31] =	ssyncset.done $0x0  }
0xa4: {  	[sflag:s31] =	ssyncadd.s32 $0xFFFFC000  }
0xa5: {  	_ =	swait.ge [sflag:s0], $0x80  }
0xa6: {  	[sflag:s0] =	ssyncset.done $0x0  }
0xa7: {  	[sflag:s0] =	ssyncadd.s32 $0xFFFFFF80  }
0xa8: {  	[spmem:s3] =	stream.indirect.scatter.add.f32 [tilespmem:s24], [sflag:$0x7], $0x80, s22, s23, $0xb8;
	[tilespmem:$0x1FF00] =	vst v63  }
0xa9: {  	_ =	swait.ge [sflag:s21], $0x4000  }
0xaa: {  	[sflag:s21] =	ssyncset.done $0x0  }
0xab: {  	[sflag:s21] =	ssyncadd.s32 $0xFFFFC000  }
0xac: {  	_ =	swait.ge [sflag:s2], $0x4000  }
0xad: {  	[sflag:s2] =	ssyncset.done $0x0  }
0xae: {  	[sflag:s2] =	ssyncadd.s32 $0xFFFFC000  }
0xaf: {  	_ =	swait.ge [sflag:s7], $0x80  }
0xb0: {  	[sflag:s7] =	ssyncset.done $0x0  }
0xb1: {  	[sflag:s7] =	ssyncadd.s32 $0xFFFFFF80  }
0xb2: {  	[spmem:s3] =	stream.indirect.scatter.add.f32 [tilespmem:s26], [sflag:$0x7], $0x80, s25, s23, $0xb8;
	[tilespmem:$0x1FF00] =	vst v63  }
0xb3: {  	_ =	swait.ge [sflag:s21], $0x4000  }
0xb4: {  	[sflag:s21] =	ssyncset.done $0x0  }
0xb5: {  	[sflag:s21] =	ssyncadd.s32 $0xFFFFC000  }
0xb6: {  	_ =	swait.ge [sflag:s8], $0x4000  }
0xb7: {  	[sflag:s8] =	ssyncset.done $0x0  }
0xb8: {  	[sflag:s8] =	ssyncadd.s32 $0xFFFFC000  }
0xb9: {  	_ =	swait.ge [sflag:s9], $0x80  }
0xba: {  	[sflag:s9] =	ssyncset.done $0x0  }
0xbb: {  	[sflag:s9] =	ssyncadd.s32 $0xFFFFFF80  }
0xbc: {  	[spmem:s3] =	stream.indirect.scatter.add.f32 [tilespmem:s30], [sflag:$0x7], $0x80, s29, s23, $0xb8;
	[tilespmem:$0x1FF00] =	vst v63  }
0xbd: {  	_ =	swait.ge [sflag:s21], $0x4000  }
0xbe: {  	[sflag:s21] =	ssyncset.done $0x0  }
0xbf: {  	s13 =	simm.s32 @!p0 $0x0;
	s14 =	rddreg [dreg:$0xf];
	[sflag:s21] =	ssyncadd.s32 $0xFFFFC000  }
0xc0: {  	[tilespmem:s13], [sflag:$0x7] =	stream.linear.gather @!p0 [hbm4b:s14+s13], $0x80, $0x38;
	[tilespmem:$0x1FF00] =	vst v63  }
0xc1: {  	s14 =	simm.s32 @!p0 $0x7  }
0xc2: {  	_ =	swait.ge @!p0 [sflag:s14], $0x80  }
0xc3: {  	[sflag:s14] =	ssyncset.done @!p0 $0x0  }
0xc4: {  	s15 =	simm.s32 @!p0 $0x180;
	s16 =	rddreg [dreg:$0x10];
	[sflag:s14] =	ssyncadd.s32 @!p0 $0xFFFFFF80  }
0xc5: {  	[tilespmem:s15], [sflag:$0x7] =	stream.linear.gather @!p0 [hbm4b:s16+s13], $0x80, $0x38;
	[tilespmem:$0x1FF00] =	vst v63  }
0xc6: {  	_ =	swait.ge @!p0 [sflag:s14], $0x80  }
0xc7: {  	[sflag:s14] =	ssyncset.done @!p0 $0x0  }
0xc8: {  	s17 =	simm.s32 @!p0 $0x300;
	s16 =	simm.s32 @!p0 $0x80;
	[sflag:s14] =	ssyncadd.s32 @!p0 $0xFFFFFF80  }
0xc9: {  	[tilespmem:s17], [sflag:$0x1] =	stream.indirect.gather @!p0 [hbm4b:s1+s16], $0x80, s13, s16, $0xb8;
	[tilespmem:$0x1FF00] =	vst v63  }
0xca: {  	s13 =	simm.s32 @!p0 $0x1  }
0xcb: {  	_ =	swait.ge @!p0 [sflag:s13], $0x4000  }
0xcc: {  	[sflag:s13] =	ssyncset.done @!p0 $0x0  }
0xcd: {  	[sflag:s13] =	ssyncadd.s32 @!p0 $0xFFFFC000  }
0xce: {  	[spmem:s3] =	stream.indirect.scatter.add.f32 @!p0 [tilespmem:s17], [sflag:$0x7], $0x80, s15, s16, $0xb8;
	[tilespmem:$0x1FF00] =	vst v63  }
0xcf: {  	_ =	swait.ge @!p0 [sflag:s14], $0x4000  }
0xd0: {  	[sflag:s14] =	ssyncset.done @!p0 $0x0  }
0xd1: {  	s10 =	sadd.s32 $0x1, s10;
	[sflag:s14] =	ssyncadd.s32 @!p0 $0xFFFFC000  }
0xd2: {  	p1 =	sne.s32 s10, s18;
	[bflag:$0x0] =	sbarrier.arrive $0xFFFF  }
.Ltmp1:
0xd3: {  	s17 =	rddreg [dreg:$0x11];
	(pc) =	sbr.rel @p1 .LBB2_1-.Ltmp1, $4  }
0xd4: {  	[hbm:s17], [sflag:s11] =	dma.local [spmem:s12], $0x2780  }
0xd5: {  	_ =	swait.ge [sflag:s21], $0x2780  }
0xd6: {  	[sflag:s21] =	ssyncset.done $0x0  }
0xd7: {  	[sflag:s21] =	ssyncadd.s32 $0xFFFFD880  }
0xd8: {  	_ =	sfence.sel $0x180000  }
0xd9: {  	[bflag:$0x0] =	sbarrier.arrive $0xFFFF  }
0xda: {  	_ =	strace $0x9000004A  }
0xdb: {  	s0 =	stileid.u32;
	[bflag:$0x2] =	sbarrier.arrive $0xFFFF  }
0xdc: {  	p0 =	sne.s32 s0, $0x0;
	s0 =	rddreg [dreg:$0x3]  }
0xdd: {  	s0 =	sadd.s32 @!p0 $0x100000, s0  }
0xde: {  	[sflag:s0] =	ssyncadd.tile.s32 @!p0 $0x1;
	_ =	shalt  }
.Lfunc_end2:
_tile_overlayer_lowered:
.L_overlay_start_2:
0xdf: {  	(tag) =	ssettag $0x2  }
0xe0: {  	s0 =	rddreg [dreg:$0x0];
	s2 =	stileid.u32  }
0xe1: {  	s1 =	rddreg [dreg:$0x1];
	p0 =	sne.s32 s2, $0x0  }
0xe2: {  	s3 =	rddreg [dreg:$0x2];
	[bflag:$0x3] =	sbarrier.arrive $0xFFFF;
	s2 =	simm.s32 @!p0 $0x1C07  }
0xe3: {  	[timem:s3], [sflag:s2] =	dma.local @!p0 [hbm:s0], s1  }
0xe4: {  	s0 =	simm.s32 @!p0 $0x7  }
0xe5: {  	_ =	swait.ge @!p0 [sflag:s0], s1  }
0xe6: {  	s1 =	ssub.s32 @!p0 $0x0, s1;
	[sflag:s0] =	ssyncset.done @!p0 $0x0  }
0xe7: {  	[sflag:s0] =	ssyncadd.s32 @!p0 s1  }
0xe8: {  	[bflag:$0x3] =	sbarrier.arrive $0xFFFF  }
0xe9: {  	_ =	shalt  }

// kernel: kernel.14.cloned.1.call-start
scs
__scs_entry_jumppad:
0x0: {  	(pc) =	sbr.rel $0x88, $3  }
0x1: {  	(tag) =	ssettag $0x0;
	lr =	simm.s32 $0x1  }
0x2: {  	[smem:$0x3F9D] =	sst lr;
	_ =	strace $0xD0000000  }
0x3: {  	_ = 	snop  }
0x4: {  	_ = 	snop  }
0x5: {  	_ = 	snop  }
0x6: {  	_ = 	snop  }
0x7: {  	_ = 	snop  }
__scs_overlays_trampoline_lowered:
0x8: {  	[smem:$0x3FAC] =	sst s0  }
0x9: {  	[smem:$0x3FAD] =	sst s1  }
0xa: {  	[smem:$0x3FAE] =	sst s2  }
0xb: {  	[smem:$0x3FAF] =	sst s3  }
0xc: {  	[smem:$0x3FB0] =	sst s4  }
0xd: {  	[smem:$0x3FB1] =	sst s5  }
0xe: {  	[smem:$0x3FB2] =	sst s6  }
0xf: {  	[smem:$0x3FB3] =	sst s7  }
0x10: {  	[smem:$0x3FB4] =	sst s8  }
0x11: {  	[smem:$0x3FB5] =	sst s9;
	s0 =	simm.s32 @!p0 $0x0  }
0x12: {  	s1 =	sld [smem:$0x3F9B];
	s0 =	simm.s32 @p0 $0x1  }
0x13: {  	[smem:$0x3FB6] =	sst s0;
	s0 =	simm.s32 @!p1 $0x0  }
0x14: {  	s2 =	sld [smem:$0x3F9A];
	s0 =	simm.s32 @p1 $0x1  }
0x15: {  	[smem:$0x3FB7] =	sst s0;
	s0 =	simm.s32 @!p2 $0x0  }
0x16: {  	s3 =	sld [smem:$0x3FDB];
	s0 =	simm.s32 @p2 $0x1  }
0x17: {  	s4 =	simm.s32 $0x1BF5;
	[smem:$0x3FB9] =	sst s0  }
0x18: {  	s0 =	sld [smem:$0x3F9C];
	_ =	swait.ge [sflag:s4], $0x0  }
0x19: {  	s7 =	sld [smem:$0x3F9D]  }
0x1a: {  	s8 =	sadd.s32 $0xFFFFE003, lr  }
0x1b: {  	s9 =	sadd.s32 $0xFFFFFEF7, lr;
	s5 =	simm.s32 $0xFFFFFFFF;
	p2 =	slt.u32 s8, $0xFFFFF086  }
0x1c: {  	p1 =	slt.u32 s9, $0xF7A;
	s5 =	simm.s32 @!p2 $0x0  }
0x1d: {  	s5 =	simm.s32 @p1 $0x1;
	p0 =	seq.s32 s7, s2  }
0x1e: {  	s7 =	smul.u32 @!p0 $0xF7A, s2;
	p2 =	seq.s32 @!p0 s5, $0x0  }
0x1f: {  	s9 =	smul.u32 $0xF7A, s1;
	s8 =	simm.s32 @!p0 $0x1BF5;
	p2 =	por !p2, p0  }
0x20: {  	[sflag:s8] =	ssyncset.s32 @!p0 $0xFFFFF086;
	s6 =	sadd.s32 @!p0 s3, s7;
	s7 =	simm.s32 @!p0 $0x108  }
0x21: {  	s3 =	sadd.s32 s3, s9;
	s6 =	sadd.s32 @!p0 $0x88, s6;
	s7 =	simm.s32 @p2 $0x1082  }
0x22: {  	[simem:s7], [sflag:s8] =	dma.local @!p0 [hbm:s6], $0xF7A  }
0x23: {  	s9 =	sor.u32 $0xD0000000, s2;
	s6 =	simm.s32 $0x108;
	_ =	swait.ge @!p0 [sflag:s8], $0x0  }
0x24: {  	s3 =	sadd.s32 $0x88, s3;
	s6 =	simm.s32 @!p1 $0x1082;
	[sflag:s4] =	ssyncset.s32 $0xFFFFF086  }
0x25: {  	[simem:s6], [sflag:s4] =	dma.local [hbm:s3], $0xF7A  }
0x26: {  	[smem:$0x3F9D] =	sst s1;
	(tag) =	ssettag s2;
	_ =	strace s9  }
0x27: {  	s1 =	sld [smem:$0x3FAD]  }
0x28: {  	s2 =	sld [smem:$0x3FAE]  }
0x29: {  	s4 =	sld [smem:$0x3FB0]  }
0x2a: {  	p0 =	seq.s32 s5, $0x0;
	s5 =	sld [smem:$0x3FB1]  }
0x2b: {  	s6 =	sld [smem:$0x3FB2]  }
0x2c: {  	s7 =	sld [smem:$0x3FB3]  }
0x2d: {  	s3 =	simm.s32 $0x108;
	s8 =	sld [smem:$0x3FB4]  }
0x2e: {  	s3 =	simm.s32 @!p0 $0x1082;
	s9 =	sld [smem:$0x3FB5]  }
0x2f: {  	lr =	sadd.s32 s0, s3;
	s0 =	sld [smem:$0x3FAC]  }
0x30: {  	s3 =	sld [smem:$0x3FAF]  }
0x31: {  	[smem:$0x3FB8] =	sst s10  }
0x32: {  	s10 =	sld [smem:$0x3FB6];
	_ =	sdelay $0x3  }
0x33: {  	p0 =	seq.s32 s10, $0x1;
	s10 =	sld [smem:$0x3FB8];
	_ =	sdelay $0x3  }
0x34: {  	[smem:$0x3FB8] =	sst s10  }
0x35: {  	s10 =	sld [smem:$0x3FB7];
	_ =	sdelay $0x3  }
0x36: {  	p1 =	seq.s32 s10, $0x1;
	s10 =	sld [smem:$0x3FB8];
	_ =	sdelay $0x3  }
0x37: {  	[smem:$0x3FB8] =	sst s10  }
0x38: {  	s10 =	sld [smem:$0x3FB9]  }
0x39: {  	_ = 	snop;
	(pc) =	sbr.ind lr, $3  }
0x3a: {  	_ = 	snop  }
0x3b: {  	_ = 	snop  }
0x3c: {  	p2 =	seq.s32 s10, $0x1;
	s10 =	sld [smem:$0x3FB8]  }
0x3d: {  	_ =	shalt  }
0x3e: {  	_ =	shalt  }
0x3f: {  	_ =	shalt  }
0x40: {  	_ =	shalt  }
0x41: {  	_ =	shalt  }
0x42: {  	_ =	shalt  }
0x43: {  	_ =	shalt  }
0x44: {  	_ =	shalt  }
0x45: {  	_ =	shalt  }
0x46: {  	_ =	shalt  }
0x47: {  	_ =	shalt  }
0x48: {  	_ =	shalt  }
0x49: {  	_ =	shalt  }
0x4a: {  	_ =	shalt  }
0x4b: {  	_ =	shalt  }
0x4c: {  	_ =	shalt  }
0x4d: {  	_ =	shalt  }
0x4e: {  	_ =	shalt  }
0x4f: {  	_ =	shalt  }
0x50: {  	_ =	shalt  }
0x51: {  	_ =	shalt  }
0x52: {  	_ =	shalt  }
0x53: {  	_ =	shalt  }
0x54: {  	_ =	shalt  }
0x55: {  	_ =	shalt  }
0x56: {  	_ =	shalt  }
0x57: {  	_ =	shalt  }
0x58: {  	_ =	shalt  }
0x59: {  	_ =	shalt  }
0x5a: {  	_ =	shalt  }
0x5b: {  	_ =	shalt  }
0x5c: {  	_ =	shalt  }
0x5d: {  	_ =	shalt  }
0x5e: {  	_ =	shalt  }
0x5f: {  	_ =	shalt  }
0x60: {  	_ =	shalt  }
0x61: {  	_ =	shalt  }
0x62: {  	_ =	shalt  }
0x63: {  	_ =	shalt  }
0x64: {  	_ =	shalt  }
0x65: {  	_ =	shalt  }
0x66: {  	_ =	shalt  }
0x67: {  	_ =	shalt  }
0x68: {  	_ =	shalt  }
0x69: {  	_ =	shalt  }
0x6a: {  	_ =	shalt  }
0x6b: {  	_ =	shalt  }
0x6c: {  	_ =	shalt  }
0x6d: {  	_ =	shalt  }
0x6e: {  	_ =	shalt  }
0x6f: {  	_ =	shalt  }
0x70: {  	_ =	shalt  }
0x71: {  	_ =	shalt  }
0x72: {  	_ =	shalt  }
0x73: {  	_ =	shalt  }
0x74: {  	_ =	shalt  }
0x75: {  	_ =	shalt  }
0x76: {  	_ =	shalt  }
0x77: {  	_ =	shalt  }
0x78: {  	_ =	shalt  }
0x79: {  	_ =	shalt  }
0x7a: {  	_ =	shalt  }
0x7b: {  	_ =	shalt  }
0x7c: {  	_ =	shalt  }
0x7d: {  	_ =	shalt  }
0x7e: {  	_ =	shalt  }
0x7f: {  	_ =	shalt  }
0x80: {  	_ =	shalt  }
0x81: {  	_ =	shalt  }
0x82: {  	_ =	shalt  }
0x83: {  	_ =	shalt  }
0x84: {  	_ =	shalt  }
0x85: {  	_ =	shalt  }
0x86: {  	_ =	shalt  }
0x87: {  	_ =	shalt  }
.Lfunc_end0:
.L_simem_size_0:
called_computation.2_lowered:
.L_overlay_start_0:
0x88: {  	s2 =	sld [smem:$0x3FD9]  }
0x89: {  	s3 =	sld [smem:$0x3FFE];
	_ =	sdelay $0x1  }
0x8a: {  	s1 =	srdreg.scid  }
0x8b: {  	s0 =	sand.u32 $0x1, s1  }
0x8c: {  	s17 =	sshll.u32 s0, $0xA;
	s2 =	sadd.s32 s3, s2  }
0x8d: {  	s2 =	sadd.s32 s2, s17  }
0x8e: {  	[smem:$0x3FC4] =	sst s2  }
0x8f: {  	_ = 	snop  }
0x90: {  	s2 =	sld [smem:$0x3FD0];
	(tm) =	ssettm $0x1  }
0x91: {  	s18 =	sld [smem:$0x3FFB];
	_ =	sdelay $0x3  }
0x92: {  	_ =	strace s18  }
0x93: {  	s3 =	sld [smem:$0x3FFC];
	_ =	sdelay $0x3  }
0x94: {  	_ =	strace s3  }
0x95: {  	s3 =	sld [smem:$0x3FFD];
	_ =	sdelay $0x3  }
0x96: {  	_ =	strace s3  }
0x97: {  	_ =	strace $0x8FFFFFFF  }
0x98: {  	s19 =	sld [smem:$0x3FDB];
	_ =	sdelay $0x1  }
0x99: {  	s4 =	simm.s32 $_scs_section_size  }
0x9a: {  	s5 =	simm.s32 $_size__tile_overlayer_lowered;
	s6 =	simm.s32 $_tile_overlayer_lowered  }
0x9b: {  	s22 =	simm.s32 $0x1BFF;
	s21 =	sshll.u32 s6, $0x1;
	s3 =	sadd.s32 s4, s19  }
0x9c: {  	s7 =	simm.s32 $0x0;
	s20 =	sshll.u32 s5, $0x1;
	s5 =	sadd.s32 s21, s3  }
0x9d: {  	[timem:s7], [sflag:s22] =	dma.local [hbm:s5], s20  }
0x9e: {  	_ =	swait.ge [sflag:s22], s20  }
0x9f: {  	s4 =	ssub.s32 $0x0, s20;
	[sflag:s22] =	ssyncset.done $0x0  }
0xa0: {  	[sflag:s22] =	ssyncadd.s32 s4;
	_ =	sdelay $0x1  }
0xa1: {  	s23 =	simm.s32 $0x1B8B  }
0xa2: {  	_ =	swait.ge [sflag:s23], $0x1  }
0xa3: {  	[sflag:s23] =	ssyncset.done $0x0  }
0xa4: {  	s25 =	simm.s32 $0x1B8E;
	s24 =	sld [smem:$0x3FFE];
	[sflag:s23] =	ssyncadd.s32 $0xFFFFFFFF  }
0xa5: {  	s26 =	simm.s32 $execute0_lowered;
	[smem:$0x3FD2] =	sst s25  }
0xa6: {  	s5 =	sshll.u32 s26, $0x1;
	_ =	strace $0x8000004C;
	[dreg:$0x1] =	wrdreg $0xFFFFFFFF  }
0xa7: {  	s28 =	simm.s32 $_size_execute0_lowered;
	s3 =	sadd.s32 s3, s5;
	[dreg:$0x0] =	wrdreg $0x0  }
0xa8: {  	s5 =	sshll.u32 s28, $0x1;
	[dreg:$0x2] =	wrdreg s3  }
0xa9: {  	[dreg:$0x3] =	wrdreg s5  }
0xaa: {  	[dreg:$0x4] =	wrdreg $0xC0  }
0xab: {  	_ =	task [dreg:s7], $0x5FFFF  }
0xac: {  	[dreg:$0x1] =	wrdreg $0xFFFFFFFF  }
0xad: {  	[dreg:$0x0] =	wrdreg $0x60  }
0xae: {  	[dreg:$0x2] =	wrdreg s24  }
0xaf: {  	[dreg:$0x3] =	wrdreg s2  }
0xb0: {  	[dreg:$0x4] =	wrdreg $0xC3000  }
0xb1: {  	[dreg:$0x5] =	wrdreg $0x9  }
0xb2: {  	_ =	task.clear_ibuf [dreg:s7], $0x6FFFF;
	_ =	strace $0x9000004C  }
0xb3: {  	s29 =	simm.s32 $0x9;
	_ =	strace $0x8000004E  }
0xb4: {  	_ =	swait.ge [sflag:s29], $0x1  }
0xb5: {  	[sflag:s29] =	ssyncadd.s32 $0xFFFFFFFF  }
0xb6: {  	_ =	strace $0x9000004E  }
0xb7: {  	_ =	sfence  }
0xb8: {  	s30 =	sld [smem:$0x0];
	_ =	sdelay $0x2  }
0xb9: {  	s31 =	sshll.u32 s1, $0xD;
	s1 =	sshrl.u32 s1, $0x2  }
0xba: {  	s3 =	sand.u32 $0x4000, s31;
	s1 =	sadd.s32 s1, s30  }
0xbb: {  	s0 =	sor.u32 s3, s0;
	s1 =	sshll.u32 s1, $0x11  }
0xbc: {  	s0 =	sor.u32 s1, s0  }
0xbd: {  	s0 =	sadd.s32 $0x8F2B, s0  }
0xbe: {  	[sflag:s0] =	ssyncadd.remote.s32 $0x1  }
0xbf: {  	_ =	sfence.sel $0xFFFF  }
0xc0: {  	[dreg:$0x0] =	wrdreg $0xFFFFFFFF;
	(pc) =	sbr.abs _section_cstart, $3  }
0xc1: {  	[dreg:$0x1] =	wrdreg $0xFFFFFFFF  }
0xc2: {  	_ =	task.clear_ibuf [dreg:s7], $0x2FFFF;
	_ =	strace $0x9FFFFFFF  }
0xc3: {  	(tm) =	ssettm $0x7FFFFFFF  }
tec
execute0_lowered:
.L_overlay_start_1:
0x0: {  	(tag) =	ssettag $0x1  }
0x1: {  	s0 =	rddreg [dreg:$0x0]  }
0x2: {  	s1 =	rddreg [dreg:$0x1]  }
0x3: {  	s3 =	rddreg [dreg:$0x2]  }
0x4: {  	s2 =	srdreg.scid;
	s4 =	simm.s32 $0x0;
	s12 =	stileid.u32  }
0x5: {  	s28 =	simm.s32 $0x100;
	s29 =	simm.s32 $0x280;
	s30 =	simm.s32 $0x8300  }
0x6: {  	s31 =	simm.s32 $0x1;
	s2 =	sand.u32 $0x1, s2;
	s8 =	smul.u32 $0x13C00, s12  }
0x7: {  	[smem:$0x7FF] =	sst s4;
	s5 =	sshll.u32 s12, $0x1;
	s17 =	smul.u32 $0x4E00, s12  }
0x8: {  	s6 =	sadd.s32 $0x1200, s0;
	s11 =	sadd.s32 $0x14E00, s0;
	s19 =	smul.u32 $0x4F000, s12  }
0x9: {  	s7 =	smul.u32 $0x13C000, s2;
	_ =	strace $0x8000004D;
	s9 =	sor.u32 s2, s5  }
0xa: {  	[dreg:$0x7] =	wrdreg s11;
	s11 =	ssub.s32 $0x2, s2;
	s2 =	smul.u32 $0x2700, s2  }
0xb: {  	p0 =	sgt.u32 s12, $0x1;
	s5 =	sadd.s32 $0xB000, s0;
	s10 =	smul.u32 $0x2700, s9  }
0xc: {  	s13 =	sshrl.u32 s11, $0x1;
	s9 =	sshll.u32 s9, $0x4;
	s7 =	sadd.s32 s8, s7  }
0xd: {  	s2 =	sadd.s32 s2, s17;
	s9 =	sor.u32 $0x9C00, s9;
	s7 =	sshrl.u32 s7, $0x3  }
0xe: {  	s10 =	sshrl.u32 s10, $0x3;
	s20 =	sadd.s32 $0x280, s2;
	s21 =	sadd.s32 s5, s9  }
0xf: {  	s9 =	sadd.s32 s6, s9;
	s24 =	sadd.s32 $0x200, s2;
	s0 =	sadd.s32 s7, s0  }
0x10: {  	s7 =	ssub.s32 s11, s13;
	s14 =	sadd.s32 s5, s10;
	[dreg:$0xf] =	wrdreg s21  }
0x11: {  	s15 =	sadd.s32 s6, s10;
	s16 =	sor.u32 $0x10, s10;
	[dreg:$0x10] =	wrdreg s9  }
0x12: {  	s10 =	sadd.s32 $0x20, s10;
	s22 =	sshrl.u32 s20, $0x3;
	[dreg:$0x8] =	wrdreg s14  }
0x13: {  	s25 =	sshrl.u32 s24, $0x3;
	[dreg:$0x9] =	wrdreg s15;
	s13 =	sadd.s32 s5, s16  }
0x14: {  	s20 =	sadd.s32 $0x180, s2;
	s8 =	sadd.s32 s6, s16;
	[dreg:$0xa] =	wrdreg s13  }
0x15: {  	s21 =	simm.s32 $0x7;
	s18 =	sadd.s32 s5, s10;
	[dreg:$0xb] =	wrdreg s8  }
0x16: {  	s24 =	simm.s32 $0x300;
	s10 =	sadd.s32 s6, s10;
	[dreg:$0xc] =	wrdreg s18  }
0x17: {  	s2 =	simm.s32 $0x2;
	s23 =	sadd.s32 s22, s5;
	[dreg:$0xd] =	wrdreg s10  }
0x18: {  	s9 =	simm.s32 $0x6;
	s0 =	sadd.s32 $0x17600, s0;
	[dreg:$0x4] =	wrdreg s23  }
0x19: {  	s26 =	sadd.s32 s25, s5;
	s8 =	sshrl.u32 s19, $0x2;
	[dreg:$0x11] =	wrdreg s0  }
0x1a: {  	s18 =	smax.u32 s7, $0x1;
	[dreg:$0x6] =	wrdreg s26;
	s19 =	sadd.s32 s25, s6  }
0x1b: {  	s23 =	simm.s32 $0x80;
	s25 =	simm.s32 $0x200;
	s26 =	simm.s32 $0x4300  }
0x1c: {  	s0 =	simm.s32 $0x4;
	s7 =	simm.s32 $0x5;
	s8 =	sadd.s32 s8, s3  }
0x1d: {  	s10 =	simm.s32 $0x0;
	[dreg:$0xe] =	wrdreg s8;
	s8 =	sadd.s32 s22, s6  }
0x1e: {  	s22 =	simm.s32 $0x180;
	[dreg:$0x5] =	wrdreg s8;
	s8 =	simm.s32 $0x3  }
.LBB2_1:
0x1f: {  	s11 =	rddreg [dreg:$0x8]  }
0x20: {  	[tilespmem:s4], [sflag:$0x7] =	stream.linear.gather [hbm4b:s11+s4], $0x80, $0x38;
	[tilespmem:$0x1FF00] =	vst v63  }
0x21: {  	_ =	swait.ge [sflag:s21], $0x80  }
0x22: {  	[sflag:s21] =	ssyncset.done $0x0  }
0x23: {  	s15 =	rddreg [dreg:$0x9];
	[sflag:s21] =	ssyncadd.s32 $0xFFFFFF80  }
0x24: {  	[tilespmem:s22], [sflag:$0x4] =	stream.linear.gather [hbm4b:s15+s4], $0x80, $0x38;
	[tilespmem:$0x1FF00] =	vst v63  }
0x25: {  	_ = 	snop  }
0x26: {  	[tilespmem:s24], [sflag:$0x1] =	stream.indirect.gather [hbm4b:s1+s23], $0x80, s4, s23, $0xb8;
	[tilespmem:$0x1FF00] =	vst v63  }
0x27: {  	s16 =	rddreg [dreg:$0xa]  }
0x28: {  	[tilespmem:s23], [sflag:$0x7] =	stream.linear.gather [hbm4b:s16+s4], $0x80, $0x38;
	[tilespmem:$0x1FF00] =	vst v63  }
0x29: {  	_ =	swait.ge [sflag:s21], $0x80  }
0x2a: {  	[sflag:s21] =	ssyncset.done $0x0  }
0x2b: {  	s17 =	rddreg [dreg:$0xb];
	[sflag:s21] =	ssyncadd.s32 $0xFFFFFF80  }
0x2c: {  	[tilespmem:s25], [sflag:$0x5] =	stream.linear.gather [hbm4b:s17+s4], $0x80, $0x38;
	[tilespmem:$0x1FF00] =	vst v63  }
0x2d: {  	_ = 	snop  }
0x2e: {  	[tilespmem:s26], [sflag:$0x2] =	stream.indirect.gather [hbm4b:s1+s23], $0x80, s23, s23, $0xb8;
	[tilespmem:$0x1FF00] =	vst v63  }
0x2f: {  	s12 =	rddreg [dreg:$0xc]  }
0x30: {  	[tilespmem:s28], [sflag:$0x7] =	stream.linear.gather [hbm4b:s12+s4], $0x80, $0x38;
	[tilespmem:$0x1FF00] =	vst v63  }
0x31: {  	_ =	swait.ge [sflag:s21], $0x80  }
0x32: {  	s14 =	stileid.u32;
	[sflag:s21] =	ssyncset.done $0x0;
	s13 =	rddreg [dreg:$0xd]  }
0x33: {  	s11 =	sshll.u32 s14, $0x6;
	s12 =	rddreg [dreg:$0xe];
	[sflag:s21] =	ssyncadd.s32 $0xFFFFFF80  }
0x34: {  	[tilespmem:s29], [sflag:$0x6] =	stream.linear.gather [hbm4b:s13+s4], $0x80, $0x38;
	[tilespmem:$0x1FF00] =	vst v63  }
0x35: {  	s11 =	sor.u32 $0x1C07, s11;
	s12 =	sshrl.u32 s12, $0x3;
	s13 =	rddreg [dreg:$0x7]  }
0x36: {  	[tilespmem:s30], [sflag:$0x3] =	stream.indirect.gather [hbm4b:s1+s23], $0x80, s28, s23, $0xb8;
	[tilespmem:$0x1FF00] =	vst v63  }
0x37: {  	[spmem:s12], [sflag:s11] =	dma.local [hbm:s13], $0x2780  }
0x38: {  	_ =	swait.ge [sflag:s21], $0x2780  }
0x39: {  	[sflag:s21] =	ssyncset.done $0x0  }
0x3a: {  	[sflag:s21] =	ssyncadd.s32 $0xFFFFD880  }
0x3b: {  	[bflag:$0x0] =	sbarrier.arrive $0xFFFF  }
0x3c: {  	_ =	swait.ge [sflag:s31], $0x4000  }
0x3d: {  	[sflag:s31] =	ssyncset.done $0x0  }
0x3e: {  	[sflag:s31] =	ssyncadd.s32 $0xFFFFC000  }
0x3f: {  	_ =	swait.ge [sflag:s0], $0x80  }
0x40: {  	[sflag:s0] =	ssyncset.done $0x0  }
0x41: {  	[sflag:s0] =	ssyncadd.s32 $0xFFFFFF80  }
0x42: {  	[spmem:s3] =	stream.indirect.scatter.add.f32 [tilespmem:s24], [sflag:$0x7], $0x80, s22, s23, $0xb8;
	[tilespmem:$0x1FF00] =	vst v63  }
0x43: {  	_ =	swait.ge [sflag:s21], $0x4000  }
0x44: {  	s15 =	sshrl.u32 s20, $0x3;
	[sflag:s21] =	ssyncset.done $0x0  }
0x45: {  	s14 =	sadd.s32 s6, s15;
	[sflag:s21] =	ssyncadd.s32 $0xFFFFC000  }
0x46: {  	[tilespmem:s22], [sflag:$0x4] =	stream.linear.gather [hbm4b:s14+s4], $0x80, $0x38;
	[tilespmem:$0x1FF00] =	vst v63  }
0x47: {  	s13 =	sadd.s32 s5, s15  }
0x48: {  	[tilespmem:s4], [sflag:$0x7] =	stream.linear.gather [hbm4b:s13+s4], $0x80, $0x38;
	[tilespmem:$0x1FF00] =	vst v63  }
0x49: {  	_ =	swait.ge [sflag:s21], $0x80  }
0x4a: {  	[sflag:s21] =	ssyncset.done $0x0  }
0x4b: {  	[sflag:s21] =	ssyncadd.s32 $0xFFFFFF80  }
0x4c: {  	[tilespmem:s24], [sflag:$0x1] =	stream.indirect.gather [hbm4b:s1+s23], $0x80, s4, s23, $0xb8;
	[tilespmem:$0x1FF00] =	vst v63  }
0x4d: {  	_ =	swait.ge [sflag:s2], $0x4000  }
0x4e: {  	[sflag:s2] =	ssyncset.done $0x0  }
0x4f: {  	[sflag:s2] =	ssyncadd.s32 $0xFFFFC000  }
0x50: {  	_ =	swait.ge [sflag:s7], $0x80  }
0x51: {  	[sflag:s7] =	ssyncset.done $0x0  }
0x52: {  	[sflag:s7] =	ssyncadd.s32 $0xFFFFFF80  }
0x53: {  	[spmem:s3] =	stream.indirect.scatter.add.f32 [tilespmem:s26], [sflag:$0x7], $0x80, s25, s23, $0xb8;
	[tilespmem:$0x1FF00] =	vst v63  }
0x54: {  	_ =	swait.ge [sflag:s21], $0x4000  }
0x55: {  	[sflag:s21] =	ssyncset.done $0x0  }
0x56: {  	s17 =	sadd.s32 $0x0, s19;
	s16 =	rddreg [dreg:$0x6];
	[sflag:s21] =	ssyncadd.s32 $0xFFFFC000  }
0x57: {  	[tilespmem:s25], [sflag:$0x5] =	stream.linear.gather [hbm4b:s17+s4], $0x80, $0x38;
	[tilespmem:$0x1FF00] =	vst v63  }
0x58: {  	s13 =	sadd.s32 $0x0, s16  }
0x59: {  	[tilespmem:s23], [sflag:$0x7] =	stream.linear.gather [hbm4b:s13+s4], $0x80, $0x38;
	[tilespmem:$0x1FF00] =	vst v63  }
0x5a: {  	_ =	swait.ge [sflag:s21], $0x80  }
0x5b: {  	[sflag:s21] =	ssyncset.done $0x0  }
0x5c: {  	[sflag:s21] =	ssyncadd.s32 $0xFFFFFF80  }
0x5d: {  	[tilespmem:s26], [sflag:$0x2] =	stream.indirect.gather [hbm4b:s1+s23], $0x80, s23, s23, $0xb8;
	[tilespmem:$0x1FF00] =	vst v63  }
0x5e: {  	_ =	swait.ge [sflag:s8], $0x4000  }
0x5f: {  	[sflag:s8] =	ssyncset.done $0x0  }
0x60: {  	[sflag:s8] =	ssyncadd.s32 $0xFFFFC000  }
0x61: {  	_ =	swait.ge [sflag:s9], $0x80  }
0x62: {  	[sflag:s9] =	ssyncset.done $0x0  }
0x63: {  	[sflag:s9] =	ssyncadd.s32 $0xFFFFFF80  }
0x64: {  	[spmem:s3] =	stream.indirect.scatter.add.f32 [tilespmem:s30], [sflag:$0x7], $0x80, s29, s23, $0xb8;
	[tilespmem:$0x1FF00] =	vst v63  }
0x65: {  	_ =	swait.ge [sflag:s21], $0x4000  }
0x66: {  	s15 =	rddreg [dreg:$0x5];
	[sflag:s21] =	ssyncset.done $0x0  }
0x67: {  	s16 =	rddreg [dreg:$0x4];
	[sflag:s21] =	ssyncadd.s32 $0xFFFFC000;
	s13 =	sadd.s32 $0x0, s15  }
0x68: {  	[tilespmem:s29], [sflag:$0x6] =	stream.linear.gather [hbm4b:s13+s4], $0x80, $0x38;
	[tilespmem:$0x1FF00] =	vst v63  }
0x69: {  	s17 =	sadd.s32 $0x0, s16  }
0x6a: {  	[tilespmem:s28], [sflag:$0x7] =	stream.linear.gather [hbm4b:s17+s4], $0x80, $0x38;
	[tilespmem:$0x1FF00] =	vst v63  }
0x6b: {  	_ =	swait.ge [sflag:s21], $0x80  }
0x6c: {  	[sflag:s21] =	ssyncset.done $0x0  }
0x6d: {  	s14 =	sadd.s32 $0x180, s20;
	s13 =	simm.s32 $0x30;
	[sflag:s21] =	ssyncadd.s32 $0xFFFFFF80  }
.LBB2_2:
0x6e: {  	[tilespmem:s30], [sflag:$0x3] =	stream.indirect.gather [hbm4b:s1+s23], $0x80, s28, s23, $0xb8;
	[tilespmem:$0x1FF00] =	vst v63  }
0x6f: {  	_ =	swait.ge [sflag:s31], $0x4000  }
0x70: {  	[sflag:s31] =	ssyncset.done $0x0  }
0x71: {  	[sflag:s31] =	ssyncadd.s32 $0xFFFFC000  }
0x72: {  	_ =	swait.ge [sflag:s0], $0x80  }
0x73: {  	[sflag:s0] =	ssyncset.done $0x0  }
0x74: {  	[sflag:s0] =	ssyncadd.s32 $0xFFFFFF80  }
0x75: {  	[spmem:s3] =	stream.indirect.scatter.add.f32 [tilespmem:s24], [sflag:$0x7], $0x80, s22, s23, $0xb8;
	[tilespmem:$0x1FF00] =	vst v63  }
0x76: {  	_ =	swait.ge [sflag:s21], $0x4000  }
0x77: {  	s16 =	sshrl.u32 s14, $0x3;
	[sflag:s21] =	ssyncset.done $0x0  }
0x78: {  	s17 =	sadd.s32 s6, s16;
	[sflag:s21] =	ssyncadd.s32 $0xFFFFC000  }
0x79: {  	[tilespmem:s22], [sflag:$0x4] =	stream.linear.gather [hbm4b:s17+s4], $0x80, $0x38;
	[tilespmem:$0x1FF00] =	vst v63  }
0x7a: {  	s16 =	sadd.s32 s5, s16  }
0x7b: {  	[tilespmem:s4], [sflag:$0x7] =	stream.linear.gather [hbm4b:s16+s4], $0x80, $0x38;
	[tilespmem:$0x1FF00] =	vst v63  }
0x7c: {  	_ =	swait.ge [sflag:s21], $0x80  }
0x7d: {  	[sflag:s21] =	ssyncset.done $0x0  }
0x7e: {  	[sflag:s21] =	ssyncadd.s32 $0xFFFFFF80  }
0x7f: {  	[tilespmem:s24], [sflag:$0x1] =	stream.indirect.gather [hbm4b:s1+s23], $0x80, s4, s23, $0xb8;
	[tilespmem:$0x1FF00] =	vst v63  }
0x80: {  	_ =	swait.ge [sflag:s2], $0x4000  }
0x81: {  	[sflag:s2] =	ssyncset.done $0x0  }
0x82: {  	[sflag:s2] =	ssyncadd.s32 $0xFFFFC000  }
0x83: {  	_ =	swait.ge [sflag:s7], $0x80  }
0x84: {  	[sflag:s7] =	ssyncset.done $0x0  }
0x85: {  	[sflag:s7] =	ssyncadd.s32 $0xFFFFFF80  }
0x86: {  	[spmem:s3] =	stream.indirect.scatter.add.f32 [tilespmem:s26], [sflag:$0x7], $0x80, s25, s23, $0xb8;
	[tilespmem:$0x1FF00] =	vst v63  }
0x87: {  	_ =	swait.ge [sflag:s21], $0x4000  }
0x88: {  	s15 =	smov.u32 s13;
	[sflag:s21] =	ssyncset.done $0x0  }
0x89: {  	s17 =	sadd.s32 s15, s19;
	s16 =	rddreg [dreg:$0x6];
	[sflag:s21] =	ssyncadd.s32 $0xFFFFC000  }
0x8a: {  	[tilespmem:s25], [sflag:$0x5] =	stream.linear.gather [hbm4b:s17+s4], $0x80, $0x38;
	[tilespmem:$0x1FF00] =	vst v63  }
0x8b: {  	s16 =	sadd.s32 s15, s16  }
0x8c: {  	[tilespmem:s23], [sflag:$0x7] =	stream.linear.gather [hbm4b:s16+s4], $0x80, $0x38;
	[tilespmem:$0x1FF00] =	vst v63  }
0x8d: {  	_ =	swait.ge [sflag:s21], $0x80  }
0x8e: {  	[sflag:s21] =	ssyncset.done $0x0  }
0x8f: {  	[sflag:s21] =	ssyncadd.s32 $0xFFFFFF80  }
0x90: {  	[tilespmem:s26], [sflag:$0x2] =	stream.indirect.gather [hbm4b:s1+s23], $0x80, s23, s23, $0xb8;
	[tilespmem:$0x1FF00] =	vst v63  }
0x91: {  	_ =	swait.ge [sflag:s8], $0x4000  }
0x92: {  	[sflag:s8] =	ssyncset.done $0x0  }
0x93: {  	[sflag:s8] =	ssyncadd.s32 $0xFFFFC000  }
0x94: {  	_ =	swait.ge [sflag:s9], $0x80  }
0x95: {  	[sflag:s9] =	ssyncset.done $0x0  }
0x96: {  	[sflag:s9] =	ssyncadd.s32 $0xFFFFFF80  }
0x97: {  	[spmem:s3] =	stream.indirect.scatter.add.f32 [tilespmem:s30], [sflag:$0x7], $0x80, s29, s23, $0xb8;
	[tilespmem:$0x1FF00] =	vst v63  }
0x98: {  	_ =	swait.ge [sflag:s21], $0x4000  }
0x99: {  	p1 =	sne.s32 s13, $0x480;
	s16 =	rddreg [dreg:$0x5];
	[sflag:s21] =	ssyncset.done $0x0  }
0x9a: {  	s17 =	rddreg [dreg:$0x4];
	[sflag:s21] =	ssyncadd.s32 $0xFFFFC000;
	s16 =	sadd.s32 s15, s16  }
0x9b: {  	[tilespmem:s29], [sflag:$0x6] =	stream.linear.gather [hbm4b:s16+s4], $0x80, $0x38;
	[tilespmem:$0x1FF00] =	vst v63  }
.Ltmp0:
0x9c: {  	s15 =	sadd.s32 s15, s17;
	(pc) =	sbr.rel @p1 .LBB2_2-.Ltmp0, $4  }
0x9d: {  	[tilespmem:s28], [sflag:$0x7] =	stream.linear.gather [hbm4b:s15+s4], $0x80, $0x38;
	[tilespmem:$0x1FF00] =	vst v63  }
0x9e: {  	_ =	swait.ge [sflag:s21], $0x80  }
0x9f: {  	[sflag:s21] =	ssyncset.done $0x0  }
0xa0: {  	s13 =	sadd.s32 $0x30, s13;
	s14 =	sadd.s32 $0x180, s14;
	[sflag:s21] =	ssyncadd.s32 $0xFFFFFF80  }
0xa1: {  	[tilespmem:s30], [sflag:$0x3] =	stream.indirect.gather [hbm4b:s1+s23], $0x80, s28, s23, $0xb8;
	[tilespmem:$0x1FF00] =	vst v63  }
0xa2: {  	_ =	swait.ge [sflag:s31], $0x4000  }
0xa3: {  	[sflag:s31] =	ssyncset.done $0x0  }
0xa4: {  	[sflag:s31] =	ssyncadd.s32 $0xFFFFC000  }
0xa5: {  	_ =	swait.ge [sflag:s0], $0x80  }
0xa6: {  	[sflag:s0] =	ssyncset.done $0x0  }
0xa7: {  	[sflag:s0] =	ssyncadd.s32 $0xFFFFFF80  }
0xa8: {  	[spmem:s3] =	stream.indirect.scatter.add.f32 [tilespmem:s24], [sflag:$0x7], $0x80, s22, s23, $0xb8;
	[tilespmem:$0x1FF00] =	vst v63  }
0xa9: {  	_ =	swait.ge [sflag:s21], $0x4000  }
0xaa: {  	[sflag:s21] =	ssyncset.done $0x0  }
0xab: {  	[sflag:s21] =	ssyncadd.s32 $0xFFFFC000  }
0xac: {  	_ =	swait.ge [sflag:s2], $0x4000  }
0xad: {  	[sflag:s2] =	ssyncset.done $0x0  }
0xae: {  	[sflag:s2] =	ssyncadd.s32 $0xFFFFC000  }
0xaf: {  	_ =	swait.ge [sflag:s7], $0x80  }
0xb0: {  	[sflag:s7] =	ssyncset.done $0x0  }
0xb1: {  	[sflag:s7] =	ssyncadd.s32 $0xFFFFFF80  }
0xb2: {  	[spmem:s3] =	stream.indirect.scatter.add.f32 [tilespmem:s26], [sflag:$0x7], $0x80, s25, s23, $0xb8;
	[tilespmem:$0x1FF00] =	vst v63  }
0xb3: {  	_ =	swait.ge [sflag:s21], $0x4000  }
0xb4: {  	[sflag:s21] =	ssyncset.done $0x0  }
0xb5: {  	[sflag:s21] =	ssyncadd.s32 $0xFFFFC000  }
0xb6: {  	_ =	swait.ge [sflag:s8], $0x4000  }
0xb7: {  	[sflag:s8] =	ssyncset.done $0x0  }
0xb8: {  	[sflag:s8] =	ssyncadd.s32 $0xFFFFC000  }
0xb9: {  	_ =	swait.ge [sflag:s9], $0x80  }
0xba: {  	[sflag:s9] =	ssyncset.done $0x0  }
0xbb: {  	[sflag:s9] =	ssyncadd.s32 $0xFFFFFF80  }
0xbc: {  	[spmem:s3] =	stream.indirect.scatter.add.f32 [tilespmem:s30], [sflag:$0x7], $0x80, s29, s23, $0xb8;
	[tilespmem:$0x1FF00] =	vst v63  }
0xbd: {  	_ =	swait.ge [sflag:s21], $0x4000  }
0xbe: {  	[sflag:s21] =	ssyncset.done $0x0  }
0xbf: {  	s13 =	simm.s32 @!p0 $0x0;
	s14 =	rddreg [dreg:$0xf];
	[sflag:s21] =	ssyncadd.s32 $0xFFFFC000  }
0xc0: {  	[tilespmem:s13], [sflag:$0x7] =	stream.linear.gather @!p0 [hbm4b:s14+s13], $0x80, $0x38;
	[tilespmem:$0x1FF00] =	vst v63  }
0xc1: {  	s14 =	simm.s32 @!p0 $0x7  }
0xc2: {  	_ =	swait.ge @!p0 [sflag:s14], $0x80  }
0xc3: {  	[sflag:s14] =	ssyncset.done @!p0 $0x0  }
0xc4: {  	s15 =	simm.s32 @!p0 $0x180;
	s16 =	rddreg [dreg:$0x10];
	[sflag:s14] =	ssyncadd.s32 @!p0 $0xFFFFFF80  }
0xc5: {  	[tilespmem:s15], [sflag:$0x7] =	stream.linear.gather @!p0 [hbm4b:s16+s13], $0x80, $0x38;
	[tilespmem:$0x1FF00] =	vst v63  }
0xc6: {  	_ =	swait.ge @!p0 [sflag:s14], $0x80  }
0xc7: {  	[sflag:s14] =	ssyncset.done @!p0 $0x0  }
0xc8: {  	s17 =	simm.s32 @!p0 $0x300;
	s16 =	simm.s32 @!p0 $0x80;
	[sflag:s14] =	ssyncadd.s32 @!p0 $0xFFFFFF80  }
0xc9: {  	[tilespmem:s17], [sflag:$0x1] =	stream.indirect.gather @!p0 [hbm4b:s1+s16], $0x80, s13, s16, $0xb8;
	[tilespmem:$0x1FF00] =	vst v63  }
0xca: {  	s13 =	simm.s32 @!p0 $0x1  }
0xcb: {  	_ =	swait.ge @!p0 [sflag:s13], $0x4000  }
0xcc: {  	[sflag:s13] =	ssyncset.done @!p0 $0x0  }
0xcd: {  	[sflag:s13] =	ssyncadd.s32 @!p0 $0xFFFFC000  }
0xce: {  	[spmem:s3] =	stream.indirect.scatter.add.f32 @!p0 [tilespmem:s17], [sflag:$0x7], $0x80, s15, s16, $0xb8;
	[tilespmem:$0x1FF00] =	vst v63  }
0xcf: {  	_ =	swait.ge @!p0 [sflag:s14], $0x4000  }
0xd0: {  	[sflag:s14] =	ssyncset.done @!p0 $0x0  }
0xd1: {  	s10 =	sadd.s32 $0x1, s10;
	[sflag:s14] =	ssyncadd.s32 @!p0 $0xFFFFC000  }
0xd2: {  	p1 =	sne.s32 s10, s18;
	[bflag:$0x0] =	sbarrier.arrive $0xFFFF  }
.Ltmp1:
0xd3: {  	s17 =	rddreg [dreg:$0x11];
	(pc) =	sbr.rel @p1 .LBB2_1-.Ltmp1, $4  }
0xd4: {  	[hbm:s17], [sflag:s11] =	dma.local [spmem:s12], $0x2780  }
0xd5: {  	_ =	swait.ge [sflag:s21], $0x2780  }
0xd6: {  	[sflag:s21] =	ssyncset.done $0x0  }
0xd7: {  	[sflag:s21] =	ssyncadd.s32 $0xFFFFD880  }
0xd8: {  	_ =	sfence.sel $0x180000  }
0xd9: {  	[bflag:$0x0] =	sbarrier.arrive $0xFFFF  }
0xda: {  	_ =	strace $0x9000004D  }
0xdb: {  	s0 =	stileid.u32;
	[bflag:$0x2] =	sbarrier.arrive $0xFFFF  }
0xdc: {  	p0 =	sne.s32 s0, $0x0;
	s0 =	rddreg [dreg:$0x3]  }
0xdd: {  	s0 =	sadd.s32 @!p0 $0x100000, s0  }
0xde: {  	[sflag:s0] =	ssyncadd.tile.s32 @!p0 $0x1;
	_ =	shalt  }
.Lfunc_end2:
_tile_overlayer_lowered:
.L_overlay_start_2:
0xdf: {  	(tag) =	ssettag $0x2  }
0xe0: {  	s0 =	rddreg [dreg:$0x0];
	s2 =	stileid.u32  }
0xe1: {  	s1 =	rddreg [dreg:$0x1];
	p0 =	sne.s32 s2, $0x0  }
0xe2: {  	s3 =	rddreg [dreg:$0x2];
	[bflag:$0x3] =	sbarrier.arrive $0xFFFF;
	s2 =	simm.s32 @!p0 $0x1C07  }
0xe3: {  	[timem:s3], [sflag:s2] =	dma.local @!p0 [hbm:s0], s1  }
0xe4: {  	s0 =	simm.s32 @!p0 $0x7  }
0xe5: {  	_ =	swait.ge @!p0 [sflag:s0], s1  }
0xe6: {  	s1 =	ssub.s32 @!p0 $0x0, s1;
	[sflag:s0] =	ssyncset.done @!p0 $0x0  }
0xe7: {  	[sflag:s0] =	ssyncadd.s32 @!p0 s1  }
0xe8: {  	[bflag:$0x3] =	sbarrier.arrive $0xFFFF  }
0xe9: {  	_ =	shalt  }

// kernel: kernel.8.cloned.1.call-start
scs
__scs_entry_jumppad:
0x0: {  	(pc) =	sbr.rel $0x88, $3  }
0x1: {  	(tag) =	ssettag $0x0;
	lr =	simm.s32 $0x1  }
0x2: {  	[smem:$0x3F9D] =	sst lr;
	_ =	strace $0xD0000000  }
0x3: {  	_ = 	snop  }
0x4: {  	_ = 	snop  }
0x5: {  	_ = 	snop  }
0x6: {  	_ = 	snop  }
0x7: {  	_ = 	snop  }
__scs_overlays_trampoline_lowered:
0x8: {  	[smem:$0x3FAC] =	sst s0  }
0x9: {  	[smem:$0x3FAD] =	sst s1  }
0xa: {  	[smem:$0x3FAE] =	sst s2  }
0xb: {  	[smem:$0x3FAF] =	sst s3  }
0xc: {  	[smem:$0x3FB0] =	sst s4  }
0xd: {  	[smem:$0x3FB1] =	sst s5  }
0xe: {  	[smem:$0x3FB2] =	sst s6  }
0xf: {  	[smem:$0x3FB3] =	sst s7  }
0x10: {  	[smem:$0x3FB4] =	sst s8  }
0x11: {  	[smem:$0x3FB5] =	sst s9;
	s0 =	simm.s32 @!p0 $0x0  }
0x12: {  	s1 =	sld [smem:$0x3F9B];
	s0 =	simm.s32 @p0 $0x1  }
0x13: {  	[smem:$0x3FB6] =	sst s0;
	s0 =	simm.s32 @!p1 $0x0  }
0x14: {  	s2 =	sld [smem:$0x3F9A];
	s0 =	simm.s32 @p1 $0x1  }
0x15: {  	[smem:$0x3FB7] =	sst s0;
	s0 =	simm.s32 @!p2 $0x0  }
0x16: {  	s3 =	sld [smem:$0x3FDB];
	s0 =	simm.s32 @p2 $0x1  }
0x17: {  	s4 =	simm.s32 $0x1BF5;
	[smem:$0x3FB9] =	sst s0  }
0x18: {  	s0 =	sld [smem:$0x3F9C];
	_ =	swait.ge [sflag:s4], $0x0  }
0x19: {  	s7 =	sld [smem:$0x3F9D]  }
0x1a: {  	s8 =	sadd.s32 $0xFFFFE003, lr  }
0x1b: {  	s9 =	sadd.s32 $0xFFFFFEF7, lr;
	s5 =	simm.s32 $0xFFFFFFFF;
	p2 =	slt.u32 s8, $0xFFFFF086  }
0x1c: {  	p1 =	slt.u32 s9, $0xF7A;
	s5 =	simm.s32 @!p2 $0x0  }
0x1d: {  	s5 =	simm.s32 @p1 $0x1;
	p0 =	seq.s32 s7, s2  }
0x1e: {  	s7 =	smul.u32 @!p0 $0xF7A, s2;
	p2 =	seq.s32 @!p0 s5, $0x0  }
0x1f: {  	s9 =	smul.u32 $0xF7A, s1;
	s8 =	simm.s32 @!p0 $0x1BF5;
	p2 =	por !p2, p0  }
0x20: {  	[sflag:s8] =	ssyncset.s32 @!p0 $0xFFFFF086;
	s6 =	sadd.s32 @!p0 s3, s7;
	s7 =	simm.s32 @!p0 $0x108  }
0x21: {  	s3 =	sadd.s32 s3, s9;
	s6 =	sadd.s32 @!p0 $0x88, s6;
	s7 =	simm.s32 @p2 $0x1082  }
0x22: {  	[simem:s7], [sflag:s8] =	dma.local @!p0 [hbm:s6], $0xF7A  }
0x23: {  	s9 =	sor.u32 $0xD0000000, s2;
	s6 =	simm.s32 $0x108;
	_ =	swait.ge @!p0 [sflag:s8], $0x0  }
0x24: {  	s3 =	sadd.s32 $0x88, s3;
	s6 =	simm.s32 @!p1 $0x1082;
	[sflag:s4] =	ssyncset.s32 $0xFFFFF086  }
0x25: {  	[simem:s6], [sflag:s4] =	dma.local [hbm:s3], $0xF7A  }
0x26: {  	[smem:$0x3F9D] =	sst s1;
	(tag) =	ssettag s2;
	_ =	strace s9  }
0x27: {  	s1 =	sld [smem:$0x3FAD]  }
0x28: {  	s2 =	sld [smem:$0x3FAE]  }
0x29: {  	s4 =	sld [smem:$0x3FB0]  }
0x2a: {  	p0 =	seq.s32 s5, $0x0;
	s5 =	sld [smem:$0x3FB1]  }
0x2b: {  	s6 =	sld [smem:$0x3FB2]  }
0x2c: {  	s7 =	sld [smem:$0x3FB3]  }
0x2d: {  	s3 =	simm.s32 $0x108;
	s8 =	sld [smem:$0x3FB4]  }
0x2e: {  	s3 =	simm.s32 @!p0 $0x1082;
	s9 =	sld [smem:$0x3FB5]  }
0x2f: {  	lr =	sadd.s32 s0, s3;
	s0 =	sld [smem:$0x3FAC]  }
0x30: {  	s3 =	sld [smem:$0x3FAF]  }
0x31: {  	[smem:$0x3FB8] =	sst s10  }
0x32: {  	s10 =	sld [smem:$0x3FB6];
	_ =	sdelay $0x3  }
0x33: {  	p0 =	seq.s32 s10, $0x1;
	s10 =	sld [smem:$0x3FB8];
	_ =	sdelay $0x3  }
0x34: {  	[smem:$0x3FB8] =	sst s10  }
0x35: {  	s10 =	sld [smem:$0x3FB7];
	_ =	sdelay $0x3  }
0x36: {  	p1 =	seq.s32 s10, $0x1;
	s10 =	sld [smem:$0x3FB8];
	_ =	sdelay $0x3  }
0x37: {  	[smem:$0x3FB8] =	sst s10  }
0x38: {  	s10 =	sld [smem:$0x3FB9]  }
0x39: {  	_ = 	snop;
	(pc) =	sbr.ind lr, $3  }
0x3a: {  	_ = 	snop  }
0x3b: {  	_ = 	snop  }
0x3c: {  	p2 =	seq.s32 s10, $0x1;
	s10 =	sld [smem:$0x3FB8]  }
0x3d: {  	_ =	shalt  }
0x3e: {  	_ =	shalt  }
0x3f: {  	_ =	shalt  }
0x40: {  	_ =	shalt  }
0x41: {  	_ =	shalt  }
0x42: {  	_ =	shalt  }
0x43: {  	_ =	shalt  }
0x44: {  	_ =	shalt  }
0x45: {  	_ =	shalt  }
0x46: {  	_ =	shalt  }
0x47: {  	_ =	shalt  }
0x48: {  	_ =	shalt  }
0x49: {  	_ =	shalt  }
0x4a: {  	_ =	shalt  }
0x4b: {  	_ =	shalt  }
0x4c: {  	_ =	shalt  }
0x4d: {  	_ =	shalt  }
0x4e: {  	_ =	shalt  }
0x4f: {  	_ =	shalt  }
0x50: {  	_ =	shalt  }
0x51: {  	_ =	shalt  }
0x52: {  	_ =	shalt  }
0x53: {  	_ =	shalt  }
0x54: {  	_ =	shalt  }
0x55: {  	_ =	shalt  }
0x56: {  	_ =	shalt  }
0x57: {  	_ =	shalt  }
0x58: {  	_ =	shalt  }
0x59: {  	_ =	shalt  }
0x5a: {  	_ =	shalt  }
0x5b: {  	_ =	shalt  }
0x5c: {  	_ =	shalt  }
0x5d: {  	_ =	shalt  }
0x5e: {  	_ =	shalt  }
0x5f: {  	_ =	shalt  }
0x60: {  	_ =	shalt  }
0x61: {  	_ =	shalt  }
0x62: {  	_ =	shalt  }
0x63: {  	_ =	shalt  }
0x64: {  	_ =	shalt  }
0x65: {  	_ =	shalt  }
0x66: {  	_ =	shalt  }
0x67: {  	_ =	shalt  }
0x68: {  	_ =	shalt  }
0x69: {  	_ =	shalt  }
0x6a: {  	_ =	shalt  }
0x6b: {  	_ =	shalt  }
0x6c: {  	_ =	shalt  }
0x6d: {  	_ =	shalt  }
0x6e: {  	_ =	shalt  }
0x6f: {  	_ =	shalt  }
0x70: {  	_ =	shalt  }
0x71: {  	_ =	shalt  }
0x72: {  	_ =	shalt  }
0x73: {  	_ =	shalt  }
0x74: {  	_ =	shalt  }
0x75: {  	_ =	shalt  }
0x76: {  	_ =	shalt  }
0x77: {  	_ =	shalt  }
0x78: {  	_ =	shalt  }
0x79: {  	_ =	shalt  }
0x7a: {  	_ =	shalt  }
0x7b: {  	_ =	shalt  }
0x7c: {  	_ =	shalt  }
0x7d: {  	_ =	shalt  }
0x7e: {  	_ =	shalt  }
0x7f: {  	_ =	shalt  }
0x80: {  	_ =	shalt  }
0x81: {  	_ =	shalt  }
0x82: {  	_ =	shalt  }
0x83: {  	_ =	shalt  }
0x84: {  	_ =	shalt  }
0x85: {  	_ =	shalt  }
0x86: {  	_ =	shalt  }
0x87: {  	_ =	shalt  }
.Lfunc_end0:
.L_simem_size_0:
called_computation_lowered:
.L_overlay_start_0:
0x88: {  	s2 =	sld [smem:$0x3FD9]  }
0x89: {  	s3 =	sld [smem:$0x3FFE];
	_ =	sdelay $0x1  }
0x8a: {  	s1 =	srdreg.scid  }
0x8b: {  	s0 =	sand.u32 $0x1, s1  }
0x8c: {  	s17 =	sshll.u32 s0, $0xA;
	s2 =	sadd.s32 s3, s2  }
0x8d: {  	s2 =	sadd.s32 s2, s17  }
0x8e: {  	[smem:$0x3FC4] =	sst s2  }
0x8f: {  	_ = 	snop  }
0x90: {  	s2 =	sld [smem:$0x3FD0];
	(tm) =	ssettm $0x1  }
0x91: {  	s18 =	sld [smem:$0x3FFB];
	_ =	sdelay $0x3  }
0x92: {  	_ =	strace s18  }
0x93: {  	s3 =	sld [smem:$0x3FFC];
	_ =	sdelay $0x3  }
0x94: {  	_ =	strace s3  }
0x95: {  	s3 =	sld [smem:$0x3FFD];
	_ =	sdelay $0x3  }
0x96: {  	_ =	strace s3  }
0x97: {  	_ =	strace $0x8FFFFFFF  }
0x98: {  	s19 =	sld [smem:$0x3FDB];
	_ =	sdelay $0x1  }
0x99: {  	s4 =	simm.s32 $_scs_section_size  }
0x9a: {  	s5 =	simm.s32 $_size__tile_overlayer_lowered;
	s6 =	simm.s32 $_tile_overlayer_lowered  }
0x9b: {  	s22 =	simm.s32 $0x1BFF;
	s21 =	sshll.u32 s6, $0x1;
	s3 =	sadd.s32 s4, s19  }
0x9c: {  	s7 =	simm.s32 $0x0;
	s20 =	sshll.u32 s5, $0x1;
	s5 =	sadd.s32 s21, s3  }
0x9d: {  	[timem:s7], [sflag:s22] =	dma.local [hbm:s5], s20  }
0x9e: {  	_ =	swait.ge [sflag:s22], s20  }
0x9f: {  	s4 =	ssub.s32 $0x0, s20;
	[sflag:s22] =	ssyncset.done $0x0  }
0xa0: {  	[sflag:s22] =	ssyncadd.s32 s4;
	_ =	sdelay $0x1  }
0xa1: {  	s23 =	simm.s32 $0x1B8B  }
0xa2: {  	_ =	swait.ge [sflag:s23], $0x1  }
0xa3: {  	[sflag:s23] =	ssyncset.done $0x0  }
0xa4: {  	s25 =	simm.s32 $0x1B8E;
	s24 =	sld [smem:$0x3FFE];
	[sflag:s23] =	ssyncadd.s32 $0xFFFFFFFF  }
0xa5: {  	s26 =	simm.s32 $execute0_lowered;
	[smem:$0x3FD2] =	sst s25  }
0xa6: {  	s5 =	sshll.u32 s26, $0x1;
	_ =	strace $0x80000046;
	[dreg:$0x1] =	wrdreg $0xFFFFFFFF  }
0xa7: {  	s28 =	simm.s32 $_size_execute0_lowered;
	s3 =	sadd.s32 s3, s5;
	[dreg:$0x0] =	wrdreg $0x0  }
0xa8: {  	s5 =	sshll.u32 s28, $0x1;
	[dreg:$0x2] =	wrdreg s3  }
0xa9: {  	[dreg:$0x3] =	wrdreg s5  }
0xaa: {  	[dreg:$0x4] =	wrdreg $0xC0  }
0xab: {  	_ =	task [dreg:s7], $0x5FFFF  }
0xac: {  	[dreg:$0x1] =	wrdreg $0xFFFFFFFF  }
0xad: {  	[dreg:$0x0] =	wrdreg $0x60  }
0xae: {  	[dreg:$0x2] =	wrdreg s24  }
0xaf: {  	[dreg:$0x3] =	wrdreg s2  }
0xb0: {  	[dreg:$0x4] =	wrdreg $0x1800  }
0xb1: {  	[dreg:$0x5] =	wrdreg $0x9  }
0xb2: {  	_ =	task.clear_ibuf [dreg:s7], $0x6FFFF;
	_ =	strace $0x90000046  }
0xb3: {  	s29 =	simm.s32 $0x9;
	_ =	strace $0x80000048  }
0xb4: {  	_ =	swait.ge [sflag:s29], $0x1  }
0xb5: {  	[sflag:s29] =	ssyncadd.s32 $0xFFFFFFFF  }
0xb6: {  	_ =	strace $0x90000048  }
0xb7: {  	_ =	sfence  }
0xb8: {  	s30 =	sld [smem:$0x0];
	_ =	sdelay $0x2  }
0xb9: {  	s31 =	sshll.u32 s1, $0xD;
	s1 =	sshrl.u32 s1, $0x2  }
0xba: {  	s3 =	sand.u32 $0x4000, s31;
	s1 =	sadd.s32 s1, s30  }
0xbb: {  	s0 =	sor.u32 s3, s0;
	s1 =	sshll.u32 s1, $0x11  }
0xbc: {  	s0 =	sor.u32 s1, s0  }
0xbd: {  	s0 =	sadd.s32 $0x8F2B, s0  }
0xbe: {  	[sflag:s0] =	ssyncadd.remote.s32 $0x1  }
0xbf: {  	_ =	sfence.sel $0xFFFF  }
0xc0: {  	[dreg:$0x0] =	wrdreg $0xFFFFFFFF;
	(pc) =	sbr.abs _section_cstart, $3  }
0xc1: {  	[dreg:$0x1] =	wrdreg $0xFFFFFFFF  }
0xc2: {  	_ =	task.clear_ibuf [dreg:s7], $0x2FFFF;
	_ =	strace $0x9FFFFFFF  }
0xc3: {  	(tm) =	ssettm $0x7FFFFFFF  }
tec
execute0_lowered:
.L_overlay_start_1:
0x0: {  	(tag) =	ssettag $0x1  }
0x1: {  	s6 =	rddreg [dreg:$0x0]  }
0x2: {  	s10 =	rddreg [dreg:$0x1]  }
0x3: {  	s2 =	rddreg [dreg:$0x2]  }
0x4: {  	s0 =	rddreg [dreg:$0x3];
	s4 =	srdreg.scid  }
0x5: {  	s1 =	stileid.u32;
	s3 =	simm.s32 $0x0;
	s19 =	simm.s32 $0x1  }
0x6: {  	s20 =	simm.s32 $0x2;
	s21 =	simm.s32 $0x20;
	s22 =	simm.s32 $0x10  }
0x7: {  	s23 =	simm.s32 $0x0;
	s9 =	sand.u32 $0x1, s4;
	s28 =	sshll.u32 s1, $0x1  }
0x8: {  	[smem:$0x7FF] =	sst s3;
	s4 =	sadd.s32 $0x1200, s6;
	s12 =	smul.u32 $0xA00, s1  }
0x9: {  	s5 =	sadd.s32 $0x15000, s6;
	s6 =	sadd.s32 $0x14E00, s6;
	s14 =	smul.u32 $0x500, s1  }
0xa: {  	s15 =	smul.u32 $0x4E00, s1;
	s17 =	sshll.u32 s1, $0x6;
	p0 =	sgt.u32 s1, $0x1  }
0xb: {  	s11 =	sor.u32 s9, s28;
	_ =	strace $0x80000047;
	s8 =	ssub.s32 $0x2, s9  }
0xc: {  	s16 =	smul.u32 $0x2700, s9;
	s9 =	sshll.u32 s9, $0x7;
	s17 =	sor.u32 $0x1C03, s17  }
0xd: {  	s7 =	smul.u32 $0x2700, s11;
	s13 =	sshrl.u32 s8, $0x1;
	s12 =	sshrl.u32 s12, $0x2  }
0xe: {  	s11 =	sshll.u32 s11, $0x4;
	s9 =	sor.u32 s9, s14;
	s14 =	simm.s32 $0x80  }
0xf: {  	s13 =	ssub.s32 s8, s13;
	s18 =	sadd.s32 s12, s2;
	s29 =	sadd.s32 s16, s15  }
0x10: {  	s11 =	sadd.s32 s11, s4;
	s30 =	sshrl.u32 s9, $0x3;
	s16 =	simm.s32 $0x3  }
0x11: {  	s7 =	sshrl.u32 s7, $0x3;
	s15 =	sadd.s32 $0x180, s29;
	s9 =	sadd.s32 $0x9C00, s11  }
0x12: {  	s10 =	sadd.s32 s10, s30;
	s11 =	smax.u32 s13, $0x1;
	s13 =	sadd.s32 $0x100, s29  }
0x13: {  	s18 =	sshrl.u32 s18, $0x3;
	s7 =	sadd.s32 s4, s7;
	s31 =	sshrl.u32 s15, $0x3  }
0x14: {  	s15 =	simm.s32 $0x100;
	s8 =	sadd.s32 $0x10, s7;
	s12 =	sadd.s32 s31, s4  }
.LBB2_1:
0x15: {  	[tilespmem:s3], [sflag:$0x1] =	stream.linear.gather [hbm4b:s7+s3], $0x80, $0x38;
	[tilespmem:$0x400] =	vst v63  }
0x16: {  	_ = 	snop  }
0x17: {  	[tilespmem:s14], [sflag:$0x2] =	stream.linear.gather [hbm4b:s8+s3], $0x80, $0x38;
	[tilespmem:$0x400] =	vst v63  }
0x18: {  	_ = 	snop  }
0x19: {  	[tilespmem:s15], [sflag:$0x3] =	stream.linear.gather [hbm4b:s5+s3], $0x80, $0x38;
	[tilespmem:$0x400] =	vst v63  }
0x1a: {  	_ =	swait.ge [sflag:s16], $0x80  }
0x1b: {  	[sflag:s16] =	ssyncset.done $0x0  }
0x1c: {  	[sflag:s16] =	ssyncadd.s32 $0xFFFFFF80  }
0x1d: {  	[spmem:s18], [sflag:s17] =	dma.local [hbm:s6], $0x50  }
0x1e: {  	_ =	swait.ge [sflag:s16], $0x50  }
0x1f: {  	[sflag:s16] =	ssyncset.done $0x0  }
0x20: {  	[sflag:s16] =	ssyncadd.s32 $0xFFFFFFB0  }
0x21: {  	[bflag:$0x0] =	sbarrier.arrive $0xFFFF  }
0x22: {  	_ =	swait.ge [sflag:s19], $0x80  }
0x23: {  	[sflag:s19] =	ssyncset.done $0x0  }
0x24: {  	[sflag:s19] =	ssyncadd.s32 $0xFFFFFF80  }
0x25: {  	[spmem:s2] =	stream.indirect.scatter.add.f32 [tilespmem:s15], [sflag:$0x3], $0x1, s3, s14, $0xb8;
	[tilespmem:$0x400] =	vst v63  }
0x26: {  	_ =	swait.ge [sflag:s16], $0x80  }
0x27: {  	s24 =	sshrl.u32 s13, $0x3;
	[sflag:s16] =	ssyncset.done $0x0  }
0x28: {  	s24 =	sadd.s32 s4, s24;
	[sflag:s16] =	ssyncadd.s32 $0xFFFFFF80  }
0x29: {  	[tilespmem:s3], [sflag:$0x1] =	stream.linear.gather [hbm4b:s24+s3], $0x80, $0x38;
	[tilespmem:$0x400] =	vst v63  }
0x2a: {  	_ =	swait.ge [sflag:s20], $0x80  }
0x2b: {  	[sflag:s20] =	ssyncset.done $0x0  }
0x2c: {  	[sflag:s20] =	ssyncadd.s32 $0xFFFFFF80  }
0x2d: {  	[spmem:s2] =	stream.indirect.scatter.add.f32 [tilespmem:s15], [sflag:$0x3], $0x1, s14, s14, $0xb8;
	[tilespmem:$0x400] =	vst v63  }
0x2e: {  	_ =	swait.ge [sflag:s16], $0x80  }
0x2f: {  	s26 =	sadd.s32 $0x0, s12;
	[sflag:s16] =	ssyncset.done $0x0  }
0x30: {  	s25 =	sadd.s32 $0x100, s13;
	s24 =	simm.s32 $0x20;
	[sflag:s16] =	ssyncadd.s32 $0xFFFFFF80  }
.LBB2_2:
0x31: {  	[tilespmem:s14], [sflag:$0x2] =	stream.linear.gather [hbm4b:s26+s3], $0x80, $0x38;
	[tilespmem:$0x400] =	vst v63  }
0x32: {  	s26 =	smov.u32 s24  }
0x33: {  	p1 =	sne.s32 s24, $0x4A0;
	s24 =	sadd.s32 $0x20, s24;
	_ =	swait.ge [sflag:s19], $0x80  }
0x34: {  	[sflag:s19] =	ssyncset.done $0x0  }
0x35: {  	[sflag:s19] =	ssyncadd.s32 $0xFFFFFF80  }
0x36: {  	[spmem:s2] =	stream.indirect.scatter.add.f32 [tilespmem:s15], [sflag:$0x3], $0x1, s3, s14, $0xb8;
	[tilespmem:$0x400] =	vst v63  }
0x37: {  	_ =	swait.ge [sflag:s16], $0x80  }
0x38: {  	s28 =	sshrl.u32 s25, $0x3;
	[sflag:s16] =	ssyncset.done $0x0  }
0x39: {  	s28 =	sadd.s32 s4, s28;
	[sflag:s16] =	ssyncadd.s32 $0xFFFFFF80  }
0x3a: {  	[tilespmem:s3], [sflag:$0x1] =	stream.linear.gather [hbm4b:s28+s3], $0x80, $0x38;
	[tilespmem:$0x400] =	vst v63  }
0x3b: {  	_ =	swait.ge [sflag:s20], $0x80  }
0x3c: {  	[sflag:s20] =	ssyncset.done $0x0  }
.Ltmp0:
0x3d: {  	[sflag:s20] =	ssyncadd.s32 $0xFFFFFF80;
	(pc) =	sbr.rel @p1 .LBB2_2-.Ltmp0, $4  }
0x3e: {  	[spmem:s2] =	stream.indirect.scatter.add.f32 [tilespmem:s15], [sflag:$0x3], $0x1, s14, s14, $0xb8;
	[tilespmem:$0x400] =	vst v63  }
0x3f: {  	_ =	swait.ge [sflag:s16], $0x80  }
0x40: {  	[sflag:s16] =	ssyncset.done $0x0  }
0x41: {  	s25 =	sadd.s32 $0x100, s25;
	s26 =	sadd.s32 s26, s12;
	[sflag:s16] =	ssyncadd.s32 $0xFFFFFF80  }
0x42: {  	[tilespmem:s14], [sflag:$0x2] =	stream.linear.gather [hbm4b:s26+s3], $0x80, $0x38;
	[tilespmem:$0x400] =	vst v63  }
0x43: {  	_ =	swait.ge [sflag:s19], $0x80  }
0x44: {  	[sflag:s19] =	ssyncset.done $0x0  }
0x45: {  	[sflag:s19] =	ssyncadd.s32 $0xFFFFFF80  }
0x46: {  	[spmem:s2] =	stream.indirect.scatter.add.f32 [tilespmem:s15], [sflag:$0x3], $0x1, s3, s14, $0xb8;
	[tilespmem:$0x400] =	vst v63  }
0x47: {  	_ =	swait.ge [sflag:s16], $0x80  }
0x48: {  	[sflag:s16] =	ssyncset.done $0x0  }
0x49: {  	[sflag:s16] =	ssyncadd.s32 $0xFFFFFF80  }
0x4a: {  	_ =	swait.ge [sflag:s20], $0x80  }
0x4b: {  	[sflag:s20] =	ssyncset.done $0x0  }
0x4c: {  	[sflag:s20] =	ssyncadd.s32 $0xFFFFFF80  }
0x4d: {  	[spmem:s2] =	stream.indirect.scatter.add.f32 [tilespmem:s15], [sflag:$0x3], $0x1, s14, s14, $0xb8;
	[tilespmem:$0x400] =	vst v63  }
0x4e: {  	_ =	swait.ge [sflag:s16], $0x80  }
0x4f: {  	[sflag:s16] =	ssyncset.done $0x0  }
0x50: {  	s24 =	simm.s32 @!p0 $0x0;
	s25 =	simm.s32 @!p0 $0x3;
	[sflag:s16] =	ssyncadd.s32 $0xFFFFFF80  }
0x51: {  	[tilespmem:s24], [sflag:$0x3] =	stream.linear.gather @!p0 [hbm4b:s9+s24], $0x80, $0x38;
	[tilespmem:$0x400] =	vst v63  }
0x52: {  	_ =	swait.ge @!p0 [sflag:s25], $0x80  }
0x53: {  	[sflag:s25] =	ssyncset.done @!p0 $0x0  }
0x54: {  	s26 =	simm.s32 @!p0 $0x80;
	s28 =	simm.s32 @!p0 $0x100;
	[sflag:s25] =	ssyncadd.s32 @!p0 $0xFFFFFF80  }
0x55: {  	[spmem:s2] =	stream.indirect.scatter.add.f32 @!p0 [tilespmem:s28], [sflag:$0x3], $0x1, s24, s26, $0xb8;
	[tilespmem:$0x400] =	vst v63  }
0x56: {  	_ =	swait.ge @!p0 [sflag:s25], $0x80  }
0x57: {  	s23 =	sadd.s32 $0x1, s23;
	[sflag:s25] =	ssyncset.done @!p0 $0x0  }
0x58: {  	p1 =	sne.s32 s23, s11;
	[sflag:s25] =	ssyncadd.s32 @!p0 $0xFFFFFF80  }
.Ltmp1:
0x59: {  	[bflag:$0x0] =	sbarrier.arrive $0xFFFF;
	(pc) =	sbr.rel @p1 .LBB2_1-.Ltmp1, $4  }
0x5a: {  	[hbm:s10@s21], [sflag:s17] =	dma.strided [spmem:s18@s22], $0x50, s19, $0x10   }
0x5b: {  	_ =	swait.ge [sflag:s16], $0x50  }
0x5c: {  	[sflag:s16] =	ssyncset.done $0x0  }
0x5d: {  	[sflag:s16] =	ssyncadd.s32 $0xFFFFFFB0  }
0x5e: {  	_ =	sfence.sel $0x180000  }
0x5f: {  	[bflag:$0x0] =	sbarrier.arrive $0xFFFF  }
0x60: {  	p0 =	sne.s32 s1, $0x0;
	_ =	strace $0x90000047  }
0x61: {  	s0 =	sadd.s32 @!p0 $0x100000, s0;
	[bflag:$0x2] =	sbarrier.arrive $0xFFFF  }
0x62: {  	[sflag:s0] =	ssyncadd.tile.s32 @!p0 $0x1;
	_ =	shalt  }
.Lfunc_end2:
_tile_overlayer_lowered:
.L_overlay_start_2:
0x63: {  	(tag) =	ssettag $0x2  }
0x64: {  	s0 =	rddreg [dreg:$0x0];
	s2 =	stileid.u32  }
0x65: {  	s1 =	rddreg [dreg:$0x1];
	p0 =	sne.s32 s2, $0x0  }
0x66: {  	s3 =	rddreg [dreg:$0x2];
	[bflag:$0x3] =	sbarrier.arrive $0xFFFF;
	s2 =	simm.s32 @!p0 $0x1C03  }
0x67: {  	[timem:s3], [sflag:s2] =	dma.local @!p0 [hbm:s0], s1  }
0x68: {  	s0 =	simm.s32 @!p0 $0x3  }
0x69: {  	_ =	swait.ge @!p0 [sflag:s0], s1  }
0x6a: {  	s1 =	ssub.s32 @!p0 $0x0, s1;
	[sflag:s0] =	ssyncset.done @!p0 $0x0  }
0x6b: {  	[sflag:s0] =	ssyncadd.s32 @!p0 s1  }
0x6c: {  	[bflag:$0x3] =	sbarrier.arrive $0xFFFF  }
0x6d: {  	_ =	shalt  }

</sc_bundles>
